<compile_context>
chip_gen: v7x
topology: tpu7x:2x2x1
jax: 0.10.2.dev20260603
libtpu: 0.0.44.dev20260713+nightly
codegen_flags: <defaults>
</compile_context>

<pallas_src>
import functools

import jax
import jax.numpy as jnp
from jax import lax
from jax.experimental import pallas as pl
from jax.experimental.pallas import tpu as pltpu
from jax.experimental.pallas import tpu_sc as plsc

T, N, E = 12, 10000, 320000
IN, H = 24, 12

NC, NS, L = 2, 16, 16
SF = 2
NG = T // SF
GPC = NG // NC
CH = 128
E_CHUNKS = E // CH
CPT_U = E_CHUNKS // NS
XTRA = E_CHUNKS - NS * CPT_U
CPT_MAX = CPT_U + 1
EPT_MAX = CPT_MAX * CH
RPT = 632
N_PAD = NS * RPT
LAST_ROWS = N - (NS - 1) * RPT

NBUF = 4
GROUPS = CPT_U // NBUF


def _sc_body(x_hbm, src_hbm, dst_hbm, zero_hbm, out_hbm,
             src_v, dst_v, rows_v, agg_sh, x_sh,
             sg0, sg1, sg2, sg3, ss0, ss1, ss2, ss3):
    c = lax.axis_index("c")
    w = lax.axis_index("s")

    coff = w * CPT_U + jnp.minimum(w, XTRA)

    @pl.when(w < XTRA)
    def _():
        pltpu.sync_copy(src_hbm.at[pl.ds(coff * CH, CPT_MAX * CH)],
                        src_v.at[pl.ds(0, CPT_MAX * CH)])
        pltpu.sync_copy(dst_hbm.at[pl.ds(coff, CPT_MAX)],
                        dst_v.at[pl.ds(0, CPT_MAX)])

    @pl.when(w >= XTRA)
    def _():
        pltpu.sync_copy(src_hbm.at[pl.ds(coff * CH, CPT_U * CH)],
                        src_v.at[pl.ds(0, CPT_U * CH)])
        pltpu.sync_copy(dst_hbm.at[pl.ds(coff, CPT_U)],
                        dst_v.at[pl.ds(0, CPT_U)])

    def group_body(i, carry):
        g = c * GPC + i

        pltpu.sync_copy(zero_hbm, agg_sh.at[pl.ds(w * RPT, RPT)])

        my_lo = w * RPT

        @pl.when(w == NS - 1)
        def _():
            for s in range(SF):
                pltpu.sync_copy(
                    x_hbm.at[pl.ds((SF * g + s) * N + my_lo, LAST_ROWS)],
                    x_sh.at[pl.ds(my_lo, LAST_ROWS), pl.ds(s * IN, IN)])

        @pl.when(w != NS - 1)
        def _():
            for s in range(SF):
                pltpu.sync_copy(
                    x_hbm.at[pl.ds((SF * g + s) * N + my_lo, RPT)],
                    x_sh.at[pl.ds(my_lo, RPT), pl.ds(s * IN, IN)])

        plsc.subcore_barrier()

        sg = (sg0, sg1, sg2, sg3)
        ss = (ss0, ss1, ss2, ss3)

        def src_idx(j):
            return src_v.at[pl.ds(j * CH, CH)]

        def start_gather(slot, j):
            pltpu.async_copy(x_sh.at[src_idx(j)], rows_v.at[slot], sg[slot])

        def drain_gather(slot, j):
            pltpu.make_async_copy(x_sh.at[src_idx(j)],
                                  rows_v.at[slot], sg[slot]).wait()

        def start_scatter(slot, j):
            pltpu.async_copy(rows_v.at[slot], agg_sh.at[dst_v.at[j]],
                             ss[slot], add=True)

        def drain_scatter(slot, j):
            pltpu.make_async_copy(rows_v.at[slot], agg_sh.at[dst_v.at[j]],
                                  ss[slot]).wait()

        start_gather(0, 0)
        start_gather(1, 1)

        def pipe_body(jj, carry2):
            for b in range(NBUF):
                j = NBUF * jj + b
                b2 = (b + 2) % NBUF
                drain_gather(b, j)
                start_scatter(b, j)
                if b < 2:
                    @pl.when(jj > 0)
                    def _():
                        drain_scatter(b2, j)
                    start_gather(b2, j + 2)
                else:
                    drain_scatter(b2, j)

                    @pl.when(jj < GROUPS - 1)
                    def _():
                        start_gather(b2, j + 2)
            return carry2

        lax.fori_loop(0, GROUPS, pipe_body, 0)
        drain_scatter(2, CPT_U - 2)
        drain_scatter(3, CPT_U - 1)

        @pl.when(w < XTRA)
        def _():
            start_gather(0, CPT_U)
            drain_gather(0, CPT_U)
            start_scatter(0, CPT_U)
            drain_scatter(0, CPT_U)

        plsc.subcore_barrier()

        @pl.when(w == NS - 1)
        def _():
            pltpu.sync_copy(
                agg_sh.at[pl.ds((NS - 1) * RPT, LAST_ROWS)],
                out_hbm.at[pl.ds(g * N + (NS - 1) * RPT, LAST_ROWS)])

        @pl.when(w != NS - 1)
        def _():
            pltpu.sync_copy(agg_sh.at[pl.ds(w * RPT, RPT)],
                            out_hbm.at[pl.ds(g * N + w * RPT, RPT)])

        return carry

    lax.fori_loop(0, GPC, group_body, 0)


def _segment_sums(x_rows, src_pad, dst_pad, zeros):
    mesh = plsc.VectorSubcoreMesh(core_axis_name="c", subcore_axis_name="s")
    return pl.kernel(
        _sc_body,
        out_type=jax.ShapeDtypeStruct((NG * N, SF * IN), jnp.float32),
        mesh=mesh,
        scratch_types=[
            pltpu.VMEM((EPT_MAX,), jnp.int32),
            pltpu.VMEM((CPT_MAX, CH), jnp.int32),
            pltpu.VMEM((NBUF, CH, SF * IN), jnp.float32),
            pltpu.VMEM_SHARED((N_PAD, SF * IN), jnp.float32),
            pltpu.VMEM_SHARED((N, SF * IN), jnp.float32),
        ] + [pltpu.SemaphoreType.DMA] * (2 * NBUF),
        compiler_params=pltpu.CompilerParams(use_tc_tiling_on_sc=False),
    )(x_rows, src_pad, dst_pad, zeros)


ROWS_BLK = 2000
NBLK = N // ROWS_BLK


def _tc_body(x_ref, a_ref, wzx_ref, wza_ref, wnx_ref, wna_ref, bz_ref,
             bn_ref, w1_ref, b1_ref, w2_ref, b2_ref, o_ref):
    dot = functools.partial(jnp.dot, preferred_element_type=jnp.float32)
    xb = x_ref[...]
    s = lax.rem(pl.program_id(0), SF)
    a2 = a_ref[...]
    ab = jnp.where(s == 0, a2[:, :IN], a2[:, IN:])
    z = jax.nn.sigmoid(dot(xb, wzx_ref[...]) + dot(ab, wza_ref[...])
                       + bz_ref[...])
    n = jnp.tanh(dot(xb, wnx_ref[...]) + dot(ab, wna_ref[...]) + bn_ref[...])
    h = jax.nn.relu((1.0 - z) * n)
    h = jax.nn.relu(dot(h, w1_ref[...]) + b1_ref[...])
    o_ref[...] = jax.nn.sigmoid(dot(h, w2_ref[...]) + b2_ref[...])


def _dense_head(x_flat, agg, Az, Bz, An, Bn, bz, bn, W1, b1, W2, b2):
    grid = (T, NBLK)
    x_spec = pl.BlockSpec((ROWS_BLK, IN), lambda t, i: (t * NBLK + i, 0))
    a_spec = pl.BlockSpec(
        (ROWS_BLK, SF * IN),
        lambda t, i: (lax.div(t, SF) * NBLK + i, 0))
    w_spec = pl.BlockSpec((IN, H), lambda t, i: (0, 0))
    h_spec = pl.BlockSpec((H, H), lambda t, i: (0, 0))
    b_spec = pl.BlockSpec((1, H), lambda t, i: (0, 0))
    return pl.pallas_call(
        _tc_body,
        grid=grid,
        in_specs=[x_spec, a_spec, w_spec, w_spec, w_spec, w_spec,
                  b_spec, b_spec, h_spec, b_spec, h_spec, b_spec],
        out_specs=pl.BlockSpec((ROWS_BLK, H), lambda t, i: (t * NBLK + i, 0)),
        out_shape=jax.ShapeDtypeStruct((T * N, H), jnp.float32),
    )(x_flat, agg, Az, Bz, An, Bn, bz, bn, W1, b1, W2, b2)


def kernel(x, edge_index, Wz_root, Wz_agg, Wr_root, Wr_agg, Wn_root, Wn_agg,
           bz, br, bn, W1, b1, W2, b2):
    src = edge_index[0]
    dst = edge_index[1].reshape(E_CHUNKS, CH)
    x_rows = x.reshape(T * N, IN)
    zeros = jnp.zeros((RPT, SF * IN), jnp.float32)

    agg = _segment_sums(x_rows, src, dst, zeros)

    out = _dense_head(
        x.reshape(T * N, IN), agg,
        Wz_root[:IN], Wz_agg[:IN], Wn_root[:IN], Wn_agg[:IN],
        bz.reshape(1, H), bn.reshape(1, H),
        W1, b1.reshape(1, H), W2, b2.reshape(1, H))
    return out.reshape(T, N, H)

# --- scband reference (transcript-rebuilt; emitter-appended) ---
"""Pipeline reference for scband-gnn-30296699306731 (READ-ONLY COPY).

The authoritative reference and input builder live on the scoring server;
editing this copy changes nothing except your own understanding.
"""

import jax, jax.numpy as jnp
import numpy as np

T, N, E = 12, 10000, 320000
IN, H = 24, 12


def _glorot(key, shape):
    fan_in, fan_out = shape[0], shape[1]
    lim = (6.0 / (fan_in + fan_out)) ** 0.5
    return jax.random.uniform(key, shape, jnp.float32, -lim, lim)


def setup_inputs(seed: int = 0) -> dict:
    key = jax.random.key(seed)
    ks = jax.random.split(key, 12)
    inp = {}
    inp["x"] = jax.random.normal(ks[0], (T, N, IN), dtype=jnp.float32)
    inp["edge_index"] = jax.random.randint(ks[1], (2, E), 0, N, dtype=jnp.int32)
    gate_w = ["Wz_root", "Wz_agg", "Wr_root", "Wr_agg", "Wn_root", "Wn_agg"]
    for i, nm in enumerate(gate_w):
        inp[nm] = _glorot(ks[2 + i], (IN + H, H))
    inp["bz"] = jnp.zeros((H,), jnp.float32)
    inp["br"] = jnp.zeros((H,), jnp.float32)
    inp["bn"] = jnp.zeros((H,), jnp.float32)
    inp["W1"] = _glorot(ks[8], (H, H))
    inp["b1"] = jnp.zeros((H,), jnp.float32)
    inp["W2"] = _glorot(ks[9], (H, H))
    inp["b2"] = jnp.zeros((H,), jnp.float32)
    return inp


def reference(x, edge_index, Wz_root, Wz_agg, Wr_root, Wr_agg, Wn_root, Wn_agg,
              bz, br, bn, W1, b1, W2, b2):
    src = edge_index[0]
    dst = edge_index[1]

    def gconv(feat, W_root, W_agg, b):
        # message passing: gather source node features, scatter-add to dst
        msg = feat[src]
        agg = jax.ops.segment_sum(msg, dst, num_segments=N)
        return feat @ W_root + agg @ W_agg + b

    def step(xt):
        # original module resets h to zeros at every time step
        h = jnp.zeros((N, H), jnp.float32)
        xh = jnp.concatenate([xt, h], axis=-1)
        z = jax.nn.sigmoid(gconv(xh, Wz_root, Wz_agg, bz))
        r = jax.nn.sigmoid(gconv(xh, Wr_root, Wr_agg, br))
        xrh = jnp.concatenate([xt, r * h], axis=-1)
        n = jnp.tanh(gconv(xrh, Wn_root, Wn_agg, bn))
        hn = (1.0 - z) * n + z * h
        hn = jax.nn.relu(hn)
        hn = jax.nn.relu(hn @ W1 + b1)
        hn = jax.nn.sigmoid(hn @ W2 + b2)
        return hn

    return jax.vmap(step)(x)

if __name__ == "__main__":
    import jax
    _d = setup_inputs()
    print(jax.jit(kernel)(*tuple(_d.values())))

</pallas_src>

<mosaic_0001>
#map = affine_map<(d0, d1) -> (0, 0)>
#map1 = affine_map<(d0, d1) -> (0)>
module attributes {stable_mosaic.version = 14 : i64} {
  func.func @_sc_body(%arg0: i32, %arg1: i32, %arg2: memref<120000x24xf32, #tpu.memory_space<hbm>>, %arg3: memref<320000xi32, #tpu.memory_space<hbm>>, %arg4: memref<2500x128xi32, #tpu.memory_space<hbm>>, %arg5: memref<632x48xf32, #tpu.memory_space<hbm>>, %arg6: memref<60000x48xf32, #tpu.memory_space<hbm>>, %arg7: memref<20096xi32, #tpu.memory_space<vmem>>, %arg8: memref<157x128xi32, #tpu.memory_space<vmem>>, %arg9: memref<4x128x48xf32, #tpu.memory_space<vmem>>, %arg10: memref<10112x48xf32, #tpu.memory_space<vmem_shared>>, %arg11: memref<10000x48xf32, #tpu.memory_space<vmem_shared>>, %arg12: memref<!tpu.dma_semaphore, #tpu.memory_space<semaphore_mem>>, %arg13: memref<!tpu.dma_semaphore, #tpu.memory_space<semaphore_mem>>, %arg14: memref<!tpu.dma_semaphore, #tpu.memory_space<semaphore_mem>>, %arg15: memref<!tpu.dma_semaphore, #tpu.memory_space<semaphore_mem>>, %arg16: memref<!tpu.dma_semaphore, #tpu.memory_space<semaphore_mem>>, %arg17: memref<!tpu.dma_semaphore, #tpu.memory_space<semaphore_mem>>, %arg18: memref<!tpu.dma_semaphore, #tpu.memory_space<semaphore_mem>>, %arg19: memref<!tpu.dma_semaphore, #tpu.memory_space<semaphore_mem>>) attributes {dimension_semantics = [#tpu.dimension_semantics<core_parallel>, #tpu.dimension_semantics<subcore_parallel>], iteration_bounds = array<i64: 2, 16>, scalar_prefetch = 0 : i64, scratch_operands = 13 : i64, tpu.core_type = #tpu.core_type<sc_vector_subcore>, window_params = [{transform_indices = #map}, {transform_indices = #map1}, {transform_indices = #map}, {transform_indices = #map}, {transform_indices = #map}]} {
    %mul3A = arith.constant 156 : i32
    %mul3A_0 = arith.muli %arg1, %mul3A : i32
    %min3A = arith.constant 4 : i32
    %min3A_1 = arith.minsi %arg1, %min3A : i32
    %add3A = arith.addi %mul3A_0, %min3A_1 : i32
    %lt3A = arith.constant 4 : i32
    %lt3A_2 = arith.cmpi slt, %arg1, %lt3A : i32
    %convert_element_type3A = arith.extui %lt3A_2 : i1 to i32
    %cond3A = arith.constant 0 : i32
    %cond3A_3 = arith.cmpi ne, %convert_element_type3A, %cond3A : i32
    scf.if %cond3A_3 {
      %mul3A_13 = arith.constant 128 : i32
      %mul3A_14 = arith.muli %add3A, %mul3A_13 : i32
      "tpu.region"() ({
        %run_scoped3A = tpu.sem_alloc : memref<!tpu.dma_semaphore, #tpu.memory_space<semaphore_mem>>
        %dma_start3A = arith.constant 0 : i32
        %dma_start3A_15 = tpu.memref_slice %arg7[%dma_start3A] : memref<20096xi32, #tpu.memory_space<vmem>> -> memref<20096xi32, #tpu.memory_space<vmem>>
        %dma_start3A_16 = tpu.memref_slice %arg3[%mul3A_14] : memref<320000xi32, #tpu.memory_space<hbm>> -> memref<20096xi32, #tpu.memory_space<hbm>>
        %dma_start3A_17 = arith.constant 0 : i32
        %dma_start3A_18 = tpu.memref_slice %arg7[%dma_start3A_17] : memref<20096xi32, #tpu.memory_space<vmem>> -> memref<20096xi32, #tpu.memory_space<vmem>>
        %dma_start3A_19 = tpu.memref_slice %arg3[%mul3A_14] : memref<320000xi32, #tpu.memory_space<hbm>> -> memref<20096xi32, #tpu.memory_space<hbm>>
        tpu.enqueue_dma source(%dma_start3A_19 : memref<20096xi32, #tpu.memory_space<hbm>>) target(%dma_start3A_18 : memref<20096xi32, #tpu.memory_space<vmem>>) target_semaphore(%run_scoped3A : memref<!tpu.dma_semaphore, #tpu.memory_space<semaphore_mem>>)
        %dma_wait3A = arith.constant 0 : i32
        %dma_wait3A_20 = tpu.memref_slice %arg7[%dma_wait3A] : memref<20096xi32, #tpu.memory_space<vmem>> -> memref<20096xi32, #tpu.memory_space<vmem>>
        %dma_wait3A_21 = tpu.memref_slice %arg3[%mul3A_14] : memref<320000xi32, #tpu.memory_space<hbm>> -> memref<20096xi32, #tpu.memory_space<hbm>>
        %dma_wait3A_22 = arith.constant 0 : i32
        %dma_wait3A_23 = tpu.memref_slice %arg7[%dma_wait3A_22] : memref<20096xi32, #tpu.memory_space<vmem>> -> memref<20096xi32, #tpu.memory_space<vmem>>
        %dma_wait3A_24 = tpu.memref_slice %arg3[%mul3A_14] : memref<320000xi32, #tpu.memory_space<hbm>> -> memref<20096xi32, #tpu.memory_space<hbm>>
        tpu.wait_dma2 semaphore(%run_scoped3A : memref<!tpu.dma_semaphore, #tpu.memory_space<semaphore_mem>>) src(%dma_wait3A_24 : memref<20096xi32, #tpu.memory_space<hbm>>) dst(%dma_wait3A_23 : memref<20096xi32, #tpu.memory_space<vmem>>)
        tpu.yield
      }) : () -> ()
      "tpu.region"() ({
        %run_scoped3A = tpu.sem_alloc : memref<!tpu.dma_semaphore, #tpu.memory_space<semaphore_mem>>
        %dma_start3A = arith.constant 0 : i32
        %dma_start3A_15 = arith.constant 0 : i32
        %dma_start3A_16 = tpu.memref_slice %arg8[%dma_start3A, %dma_start3A_15] : memref<157x128xi32, #tpu.memory_space<vmem>> -> memref<157x128xi32, #tpu.memory_space<vmem>>
        %dma_start3A_17 = arith.constant 0 : i32
        %dma_start3A_18 = tpu.memref_slice %arg4[%add3A, %dma_start3A_17] : memref<2500x128xi32, #tpu.memory_space<hbm>> -> memref<157x128xi32, #tpu.memory_space<hbm>>
        %dma_start3A_19 = arith.constant 0 : i32
        %dma_start3A_20 = arith.constant 0 : i32
        %dma_start3A_21 = tpu.memref_slice %arg8[%dma_start3A_19, %dma_start3A_20] : memref<157x128xi32, #tpu.memory_space<vmem>> -> memref<157x128xi32, #tpu.memory_space<vmem>>
        %dma_start3A_22 = arith.constant 0 : i32
        %dma_start3A_23 = tpu.memref_slice %arg4[%add3A, %dma_start3A_22] : memref<2500x128xi32, #tpu.memory_space<hbm>> -> memref<157x128xi32, #tpu.memory_space<hbm>>
        tpu.enqueue_dma source(%dma_start3A_23 : memref<157x128xi32, #tpu.memory_space<hbm>>) target(%dma_start3A_21 : memref<157x128xi32, #tpu.memory_space<vmem>>) target_semaphore(%run_scoped3A : memref<!tpu.dma_semaphore, #tpu.memory_space<semaphore_mem>>)
        %dma_wait3A = arith.constant 0 : i32
        %dma_wait3A_24 = arith.constant 0 : i32
        %dma_wait3A_25 = tpu.memref_slice %arg8[%dma_wait3A, %dma_wait3A_24] : memref<157x128xi32, #tpu.memory_space<vmem>> -> memref<157x128xi32, #tpu.memory_space<vmem>>
        %dma_wait3A_26 = arith.constant 0 : i32
        %dma_wait3A_27 = tpu.memref_slice %arg4[%add3A, %dma_wait3A_26] : memref<2500x128xi32, #tpu.memory_space<hbm>> -> memref<157x128xi32, #tpu.memory_space<hbm>>
        %dma_wait3A_28 = arith.constant 0 : i32
        %dma_wait3A_29 = arith.constant 0 : i32
        %dma_wait3A_30 = tpu.memref_slice %arg8[%dma_wait3A_28, %dma_wait3A_29] : memref<157x128xi32, #tpu.memory_space<vmem>> -> memref<157x128xi32, #tpu.memory_space<vmem>>
        %dma_wait3A_31 = arith.constant 0 : i32
        %dma_wait3A_32 = tpu.memref_slice %arg4[%add3A, %dma_wait3A_31] : memref<2500x128xi32, #tpu.memory_space<hbm>> -> memref<157x128xi32, #tpu.memory_space<hbm>>
        tpu.wait_dma2 semaphore(%run_scoped3A : memref<!tpu.dma_semaphore, #tpu.memory_space<semaphore_mem>>) src(%dma_wait3A_32 : memref<157x128xi32, #tpu.memory_space<hbm>>) dst(%dma_wait3A_30 : memref<157x128xi32, #tpu.memory_space<vmem>>)
        tpu.yield
      }) : () -> ()
    } else {
    }
    %ge3A = arith.constant 4 : i32
    %ge3A_4 = arith.cmpi sge, %arg1, %ge3A : i32
    %convert_element_type3A_5 = arith.extui %ge3A_4 : i1 to i32
    %cond3A_6 = arith.constant 0 : i32
    %cond3A_7 = arith.cmpi ne, %convert_element_type3A_5, %cond3A_6 : i32
    scf.if %cond3A_7 {
      %mul3A_13 = arith.constant 128 : i32
      %mul3A_14 = arith.muli %add3A, %mul3A_13 : i32
      "tpu.region"() ({
        %run_scoped3A = tpu.sem_alloc : memref<!tpu.dma_semaphore, #tpu.memory_space<semaphore_mem>>
        %dma_start3A = arith.constant 0 : i32
        %dma_start3A_15 = tpu.memref_slice %arg7[%dma_start3A] : memref<20096xi32, #tpu.memory_space<vmem>> -> memref<19968xi32, #tpu.memory_space<vmem>>
        %dma_start3A_16 = tpu.memref_slice %arg3[%mul3A_14] : memref<320000xi32, #tpu.memory_space<hbm>> -> memref<19968xi32, #tpu.memory_space<hbm>>
        %dma_start3A_17 = arith.constant 0 : i32
        %dma_start3A_18 = tpu.memref_slice %arg7[%dma_start3A_17] : memref<20096xi32, #tpu.memory_space<vmem>> -> memref<19968xi32, #tpu.memory_space<vmem>>
        %dma_start3A_19 = tpu.memref_slice %arg3[%mul3A_14] : memref<320000xi32, #tpu.memory_space<hbm>> -> memref<19968xi32, #tpu.memory_space<hbm>>
        tpu.enqueue_dma source(%dma_start3A_19 : memref<19968xi32, #tpu.memory_space<hbm>>) target(%dma_start3A_18 : memref<19968xi32, #tpu.memory_space<vmem>>) target_semaphore(%run_scoped3A : memref<!tpu.dma_semaphore, #tpu.memory_space<semaphore_mem>>)
        %dma_wait3A = arith.constant 0 : i32
        %dma_wait3A_20 = tpu.memref_slice %arg7[%dma_wait3A] : memref<20096xi32, #tpu.memory_space<vmem>> -> memref<19968xi32, #tpu.memory_space<vmem>>
        %dma_wait3A_21 = tpu.memref_slice %arg3[%mul3A_14] : memref<320000xi32, #tpu.memory_space<hbm>> -> memref<19968xi32, #tpu.memory_space<hbm>>
        %dma_wait3A_22 = arith.constant 0 : i32
        %dma_wait3A_23 = tpu.memref_slice %arg7[%dma_wait3A_22] : memref<20096xi32, #tpu.memory_space<vmem>> -> memref<19968xi32, #tpu.memory_space<vmem>>
        %dma_wait3A_24 = tpu.memref_slice %arg3[%mul3A_14] : memref<320000xi32, #tpu.memory_space<hbm>> -> memref<19968xi32, #tpu.memory_space<hbm>>
        tpu.wait_dma2 semaphore(%run_scoped3A : memref<!tpu.dma_semaphore, #tpu.memory_space<semaphore_mem>>) src(%dma_wait3A_24 : memref<19968xi32, #tpu.memory_space<hbm>>) dst(%dma_wait3A_23 : memref<19968xi32, #tpu.memory_space<vmem>>)
        tpu.yield
      }) : () -> ()
      "tpu.region"() ({
        %run_scoped3A = tpu.sem_alloc : memref<!tpu.dma_semaphore, #tpu.memory_space<semaphore_mem>>
        %dma_start3A = arith.constant 0 : i32
        %dma_start3A_15 = arith.constant 0 : i32
        %dma_start3A_16 = tpu.memref_slice %arg8[%dma_start3A, %dma_start3A_15] : memref<157x128xi32, #tpu.memory_space<vmem>> -> memref<156x128xi32, #tpu.memory_space<vmem>>
        %dma_start3A_17 = arith.constant 0 : i32
        %dma_start3A_18 = tpu.memref_slice %arg4[%add3A, %dma_start3A_17] : memref<2500x128xi32, #tpu.memory_space<hbm>> -> memref<156x128xi32, #tpu.memory_space<hbm>>
        %dma_start3A_19 = arith.constant 0 : i32
        %dma_start3A_20 = arith.constant 0 : i32
        %dma_start3A_21 = tpu.memref_slice %arg8[%dma_start3A_19, %dma_start3A_20] : memref<157x128xi32, #tpu.memory_space<vmem>> -> memref<156x128xi32, #tpu.memory_space<vmem>>
        %dma_start3A_22 = arith.constant 0 : i32
        %dma_start3A_23 = tpu.memref_slice %arg4[%add3A, %dma_start3A_22] : memref<2500x128xi32, #tpu.memory_space<hbm>> -> memref<156x128xi32, #tpu.memory_space<hbm>>
        tpu.enqueue_dma source(%dma_start3A_23 : memref<156x128xi32, #tpu.memory_space<hbm>>) target(%dma_start3A_21 : memref<156x128xi32, #tpu.memory_space<vmem>>) target_semaphore(%run_scoped3A : memref<!tpu.dma_semaphore, #tpu.memory_space<semaphore_mem>>)
        %dma_wait3A = arith.constant 0 : i32
        %dma_wait3A_24 = arith.constant 0 : i32
        %dma_wait3A_25 = tpu.memref_slice %arg8[%dma_wait3A, %dma_wait3A_24] : memref<157x128xi32, #tpu.memory_space<vmem>> -> memref<156x128xi32, #tpu.memory_space<vmem>>
        %dma_wait3A_26 = arith.constant 0 : i32
        %dma_wait3A_27 = tpu.memref_slice %arg4[%add3A, %dma_wait3A_26] : memref<2500x128xi32, #tpu.memory_space<hbm>> -> memref<156x128xi32, #tpu.memory_space<hbm>>
        %dma_wait3A_28 = arith.constant 0 : i32
        %dma_wait3A_29 = arith.constant 0 : i32
        %dma_wait3A_30 = tpu.memref_slice %arg8[%dma_wait3A_28, %dma_wait3A_29] : memref<157x128xi32, #tpu.memory_space<vmem>> -> memref<156x128xi32, #tpu.memory_space<vmem>>
        %dma_wait3A_31 = arith.constant 0 : i32
        %dma_wait3A_32 = tpu.memref_slice %arg4[%add3A, %dma_wait3A_31] : memref<2500x128xi32, #tpu.memory_space<hbm>> -> memref<156x128xi32, #tpu.memory_space<hbm>>
        tpu.wait_dma2 semaphore(%run_scoped3A : memref<!tpu.dma_semaphore, #tpu.memory_space<semaphore_mem>>) src(%dma_wait3A_32 : memref<156x128xi32, #tpu.memory_space<hbm>>) dst(%dma_wait3A_30 : memref<156x128xi32, #tpu.memory_space<vmem>>)
        tpu.yield
      }) : () -> ()
    } else {
    }
    %scan3A = arith.constant 0 : i32
    %scan3A_8 = arith.constant 0 : i32
    %scan3A_9 = arith.constant 3 : i32
    %scan3A_10 = arith.addi %scan3A_8, %scan3A_9 : i32
    %scan3A_11 = arith.constant 1 : i32
    scf.for %scan3A_13 = %scan3A_8 to %scan3A_10 step %scan3A_11  : i32 {
      %mul3A_14 = arith.constant 3 : i32
      %mul3A_15 = arith.muli %arg0, %mul3A_14 : i32
      %add3A_16 = arith.addi %mul3A_15, %scan3A_13 : i32
      %mul3A_17 = arith.constant 632 : i32
      %mul3A_18 = arith.muli %arg1, %mul3A_17 : i32
      "tpu.region"() ({
        %run_scoped3A = tpu.sem_alloc : memref<!tpu.dma_semaphore, #tpu.memory_space<semaphore_mem>>
        %dma_start3A_93 = arith.constant 0 : i32
        %dma_start3A_94 = tpu.memref_slice %arg10[%mul3A_18, %dma_start3A_93] : memref<10112x48xf32, #tpu.memory_space<vmem_shared>> -> memref<632x48xf32, #tpu.memory_space<vmem_shared>>
        tpu.enqueue_dma source(%arg5 : memref<632x48xf32, #tpu.memory_space<hbm>>) target(%dma_start3A_94 : memref<632x48xf32, #tpu.memory_space<vmem_shared>>) target_semaphore(%run_scoped3A : memref<!tpu.dma_semaphore, #tpu.memory_space<semaphore_mem>>)
        %dma_wait3A_95 = arith.constant 0 : i32
        %dma_wait3A_96 = tpu.memref_slice %arg10[%mul3A_18, %dma_wait3A_95] : memref<10112x48xf32, #tpu.memory_space<vmem_shared>> -> memref<632x48xf32, #tpu.memory_space<vmem_shared>>
        tpu.wait_dma2 semaphore(%run_scoped3A : memref<!tpu.dma_semaphore, #tpu.memory_space<semaphore_mem>>) src(%arg5 : memref<632x48xf32, #tpu.memory_space<hbm>>) dst(%dma_wait3A_96 : memref<632x48xf32, #tpu.memory_space<vmem_shared>>)
        tpu.yield
      }) : () -> ()
      %mul3A_19 = arith.constant 632 : i32
      %mul3A_20 = arith.muli %arg1, %mul3A_19 : i32
      %eq3A = arith.constant 15 : i32
      %eq3A_21 = arith.cmpi eq, %arg1, %eq3A : i32
      %convert_element_type3A_22 = arith.extui %eq3A_21 : i1 to i32
      %cond3A_23 = arith.constant 0 : i32
      %cond3A_24 = arith.cmpi ne, %convert_element_type3A_22, %cond3A_23 : i32
      scf.if %cond3A_24 {
        %mul3A_93 = arith.constant 2 : i32
        %mul3A_94 = arith.muli %mul3A_93, %add3A_16 : i32
        %add3A_95 = arith.constant 0 : i32
        %add3A_96 = arith.addi %mul3A_94, %add3A_95 : i32
        %mul3A_97 = arith.constant 10000 : i32
        %mul3A_98 = arith.muli %add3A_96, %mul3A_97 : i32
        %add3A_99 = arith.addi %mul3A_98, %mul3A_20 : i32
        "tpu.region"() ({
          %run_scoped3A = tpu.sem_alloc : memref<!tpu.dma_semaphore, #tpu.memory_space<semaphore_mem>>
          %dma_start3A_107 = arith.constant 0 : i32
          %dma_start3A_108 = tpu.memref_slice %arg11[%mul3A_20, %dma_start3A_107] : memref<10000x48xf32, #tpu.memory_space<vmem_shared>> -> memref<520x24xf32, #tpu.memory_space<vmem_shared>>
          %dma_start3A_109 = arith.constant 0 : i32
          %dma_start3A_110 = tpu.memref_slice %arg2[%add3A_99, %dma_start3A_109] : memref<120000x24xf32, #tpu.memory_space<hbm>> -> memref<520x24xf32, #tpu.memory_space<hbm>>
          tpu.enqueue_dma source(%dma_start3A_110 : memref<520x24xf32, #tpu.memory_space<hbm>>) target(%dma_start3A_108 : memref<520x24xf32, #tpu.memory_space<vmem_shared>>) target_semaphore(%run_scoped3A : memref<!tpu.dma_semaphore, #tpu.memory_space<semaphore_mem>>)
          %dma_wait3A_111 = arith.constant 0 : i32
          %dma_wait3A_112 = tpu.memref_slice %arg11[%mul3A_20, %dma_wait3A_111] : memref<10000x48xf32, #tpu.memory_space<vmem_shared>> -> memref<520x24xf32, #tpu.memory_space<vmem_shared>>
          %dma_wait3A_113 = arith.constant 0 : i32
          %dma_wait3A_114 = tpu.memref_slice %arg2[%add3A_99, %dma_wait3A_113] : memref<120000x24xf32, #tpu.memory_space<hbm>> -> memref<520x24xf32, #tpu.memory_space<hbm>>
          tpu.wait_dma2 semaphore(%run_scoped3A : memref<!tpu.dma_semaphore, #tpu.memory_space<semaphore_mem>>) src(%dma_wait3A_114 : memref<520x24xf32, #tpu.memory_space<hbm>>) dst(%dma_wait3A_112 : memref<520x24xf32, #tpu.memory_space<vmem_shared>>)
          tpu.yield
        }) : () -> ()
        %mul3A_100 = arith.constant 2 : i32
        %mul3A_101 = arith.muli %mul3A_100, %add3A_16 : i32
        %add3A_102 = arith.constant 1 : i32
        %add3A_103 = arith.addi %mul3A_101, %add3A_102 : i32
        %mul3A_104 = arith.constant 10000 : i32
        %mul3A_105 = arith.muli %add3A_103, %mul3A_104 : i32
        %add3A_106 = arith.addi %mul3A_105, %mul3A_20 : i32
        "tpu.region"() ({
          %run_scoped3A = tpu.sem_alloc : memref<!tpu.dma_semaphore, #tpu.memory_space<semaphore_mem>>
          %dma_start3A_107 = arith.constant 24 : i32
          %dma_start3A_108 = tpu.memref_slice %arg11[%mul3A_20, %dma_start3A_107] : memref<10000x48xf32, #tpu.memory_space<vmem_shared>> -> memref<520x24xf32, #tpu.memory_space<vmem_shared>>
          %dma_start3A_109 = arith.constant 0 : i32
          %dma_start3A_110 = tpu.memref_slice %arg2[%add3A_106, %dma_start3A_109] : memref<120000x24xf32, #tpu.memory_space<hbm>> -> memref<520x24xf32, #tpu.memory_space<hbm>>
          tpu.enqueue_dma source(%dma_start3A_110 : memref<520x24xf32, #tpu.memory_space<hbm>>) target(%dma_start3A_108 : memref<520x24xf32, #tpu.memory_space<vmem_shared>>) target_semaphore(%run_scoped3A : memref<!tpu.dma_semaphore, #tpu.memory_space<semaphore_mem>>)
          %dma_wait3A_111 = arith.constant 24 : i32
          %dma_wait3A_112 = tpu.memref_slice %arg11[%mul3A_20, %dma_wait3A_111] : memref<10000x48xf32, #tpu.memory_space<vmem_shared>> -> memref<520x24xf32, #tpu.memory_space<vmem_shared>>
          %dma_wait3A_113 = arith.constant 0 : i32
          %dma_wait3A_114 = tpu.memref_slice %arg2[%add3A_106, %dma_wait3A_113] : memref<120000x24xf32, #tpu.memory_space<hbm>> -> memref<520x24xf32, #tpu.memory_space<hbm>>
          tpu.wait_dma2 semaphore(%run_scoped3A : memref<!tpu.dma_semaphore, #tpu.memory_space<semaphore_mem>>) src(%dma_wait3A_114 : memref<520x24xf32, #tpu.memory_space<hbm>>) dst(%dma_wait3A_112 : memref<520x24xf32, #tpu.memory_space<vmem_shared>>)
          tpu.yield
        }) : () -> ()
      } else {
      }
      %ne3A = arith.constant 15 : i32
      %ne3A_25 = arith.cmpi ne, %arg1, %ne3A : i32
      %convert_element_type3A_26 = arith.extui %ne3A_25 : i1 to i32
      %cond3A_27 = arith.constant 0 : i32
      %cond3A_28 = arith.cmpi ne, %convert_element_type3A_26, %cond3A_27 : i32
      scf.if %cond3A_28 {
        %mul3A_93 = arith.constant 2 : i32
        %mul3A_94 = arith.muli %mul3A_93, %add3A_16 : i32
        %add3A_95 = arith.constant 0 : i32
        %add3A_96 = arith.addi %mul3A_94, %add3A_95 : i32
        %mul3A_97 = arith.constant 10000 : i32
        %mul3A_98 = arith.muli %add3A_96, %mul3A_97 : i32
        %add3A_99 = arith.addi %mul3A_98, %mul3A_20 : i32
        "tpu.region"() ({
          %run_scoped3A = tpu.sem_alloc : memref<!tpu.dma_semaphore, #tpu.memory_space<semaphore_mem>>
          %dma_start3A_107 = arith.constant 0 : i32
          %dma_start3A_108 = tpu.memref_slice %arg11[%mul3A_20, %dma_start3A_107] : memref<10000x48xf32, #tpu.memory_space<vmem_shared>> -> memref<632x24xf32, #tpu.memory_space<vmem_shared>>
          %dma_start3A_109 = arith.constant 0 : i32
          %dma_start3A_110 = tpu.memref_slice %arg2[%add3A_99, %dma_start3A_109] : memref<120000x24xf32, #tpu.memory_space<hbm>> -> memref<632x24xf32, #tpu.memory_space<hbm>>
          tpu.enqueue_dma source(%dma_start3A_110 : memref<632x24xf32, #tpu.memory_space<hbm>>) target(%dma_start3A_108 : memref<632x24xf32, #tpu.memory_space<vmem_shared>>) target_semaphore(%run_scoped3A : memref<!tpu.dma_semaphore, #tpu.memory_space<semaphore_mem>>)
          %dma_wait3A_111 = arith.constant 0 : i32
          %dma_wait3A_112 = tpu.memref_slice %arg11[%mul3A_20, %dma_wait3A_111] : memref<10000x48xf32, #tpu.memory_space<vmem_shared>> -> memref<632x24xf32, #tpu.memory_space<vmem_shared>>
          %dma_wait3A_113 = arith.constant 0 : i32
          %dma_wait3A_114 = tpu.memref_slice %arg2[%add3A_99, %dma_wait3A_113] : memref<120000x24xf32, #tpu.memory_space<hbm>> -> memref<632x24xf32, #tpu.memory_space<hbm>>
          tpu.wait_dma2 semaphore(%run_scoped3A : memref<!tpu.dma_semaphore, #tpu.memory_space<semaphore_mem>>) src(%dma_wait3A_114 : memref<632x24xf32, #tpu.memory_space<hbm>>) dst(%dma_wait3A_112 : memref<632x24xf32, #tpu.memory_space<vmem_shared>>)
          tpu.yield
        }) : () -> ()
        %mul3A_100 = arith.constant 2 : i32
        %mul3A_101 = arith.muli %mul3A_100, %add3A_16 : i32
        %add3A_102 = arith.constant 1 : i32
        %add3A_103 = arith.addi %mul3A_101, %add3A_102 : i32
        %mul3A_104 = arith.constant 10000 : i32
        %mul3A_105 = arith.muli %add3A_103, %mul3A_104 : i32
        %add3A_106 = arith.addi %mul3A_105, %mul3A_20 : i32
        "tpu.region"() ({
          %run_scoped3A = tpu.sem_alloc : memref<!tpu.dma_semaphore, #tpu.memory_space<semaphore_mem>>
          %dma_start3A_107 = arith.constant 24 : i32
          %dma_start3A_108 = tpu.memref_slice %arg11[%mul3A_20, %dma_start3A_107] : memref<10000x48xf32, #tpu.memory_space<vmem_shared>> -> memref<632x24xf32, #tpu.memory_space<vmem_shared>>
          %dma_start3A_109 = arith.constant 0 : i32
          %dma_start3A_110 = tpu.memref_slice %arg2[%add3A_106, %dma_start3A_109] : memref<120000x24xf32, #tpu.memory_space<hbm>> -> memref<632x24xf32, #tpu.memory_space<hbm>>
          tpu.enqueue_dma source(%dma_start3A_110 : memref<632x24xf32, #tpu.memory_space<hbm>>) target(%dma_start3A_108 : memref<632x24xf32, #tpu.memory_space<vmem_shared>>) target_semaphore(%run_scoped3A : memref<!tpu.dma_semaphore, #tpu.memory_space<semaphore_mem>>)
          %dma_wait3A_111 = arith.constant 24 : i32
          %dma_wait3A_112 = tpu.memref_slice %arg11[%mul3A_20, %dma_wait3A_111] : memref<10000x48xf32, #tpu.memory_space<vmem_shared>> -> memref<632x24xf32, #tpu.memory_space<vmem_shared>>
          %dma_wait3A_113 = arith.constant 0 : i32
          %dma_wait3A_114 = tpu.memref_slice %arg2[%add3A_106, %dma_wait3A_113] : memref<120000x24xf32, #tpu.memory_space<hbm>> -> memref<632x24xf32, #tpu.memory_space<hbm>>
          tpu.wait_dma2 semaphore(%run_scoped3A : memref<!tpu.dma_semaphore, #tpu.memory_space<semaphore_mem>>) src(%dma_wait3A_114 : memref<632x24xf32, #tpu.memory_space<hbm>>) dst(%dma_wait3A_112 : memref<632x24xf32, #tpu.memory_space<vmem_shared>>)
          tpu.yield
        }) : () -> ()
      } else {
      }
      %barrier3A = arith.constant 0 : index
      tpu.barrier barrier_id(%barrier3A)
      %dma_start3A = arith.constant 0 : i32
      %dma_start3A_29 = arith.constant 0 : i32
      %dma_start3A_30 = arith.constant 0 : i32
      %dma_start3A_31 = tpu.memref_slice %arg9[%dma_start3A, %dma_start3A_29, %dma_start3A_30] : memref<4x128x48xf32, #tpu.memory_space<vmem>> -> memref<1x128x48xf32, #tpu.memory_space<vmem>>
      %dma_start3A_32 = tpu.memref_squeeze %dma_start3A_31 : memref<1x128x48xf32, #tpu.memory_space<vmem>> -> memref<128x48xf32, #tpu.memory_space<vmem>>
      %dma_start3A_33 = arith.constant 0 : i32
      %dma_start3A_34 = tpu.memref_slice %arg7[%dma_start3A_33] : memref<20096xi32, #tpu.memory_space<vmem>> -> memref<128xi32, #tpu.memory_space<vmem>>
      %dma_start3A_35 = arith.constant 0 : i32
      %dma_start3A_36 = arith.constant 0 : i32
      %dma_start3A_37 = tpu.memref_slice %arg11[%dma_start3A_35, %dma_start3A_36] : memref<10000x48xf32, #tpu.memory_space<vmem_shared>> -> memref<10000x48xf32, #tpu.memory_space<vmem_shared>>
      tpu.enqueue_indirect_dma source(%dma_start3A_37 : memref<10000x48xf32, #tpu.memory_space<vmem_shared>>) target(%dma_start3A_32 : memref<128x48xf32, #tpu.memory_space<vmem>>) offsets(%dma_start3A_34 : memref<128xi32, #tpu.memory_space<vmem>>) semaphore(%arg12 : memref<!tpu.dma_semaphore, #tpu.memory_space<semaphore_mem>>)
      %dma_start3A_38 = arith.constant 1 : i32
      %dma_start3A_39 = arith.constant 0 : i32
      %dma_start3A_40 = arith.constant 0 : i32
      %dma_start3A_41 = tpu.memref_slice %arg9[%dma_start3A_38, %dma_start3A_39, %dma_start3A_40] : memref<4x128x48xf32, #tpu.memory_space<vmem>> -> memref<1x128x48xf32, #tpu.memory_space<vmem>>
      %dma_start3A_42 = tpu.memref_squeeze %dma_start3A_41 : memref<1x128x48xf32, #tpu.memory_space<vmem>> -> memref<128x48xf32, #tpu.memory_space<vmem>>
      %dma_start3A_43 = arith.constant 128 : i32
      %dma_start3A_44 = tpu.memref_slice %arg7[%dma_start3A_43] : memref<20096xi32, #tpu.memory_space<vmem>> -> memref<128xi32, #tpu.memory_space<vmem>>
      %dma_start3A_45 = arith.constant 0 : i32
      %dma_start3A_46 = arith.constant 0 : i32
      %dma_start3A_47 = tpu.memref_slice %arg11[%dma_start3A_45, %dma_start3A_46] : memref<10000x48xf32, #tpu.memory_space<vmem_shared>> -> memref<10000x48xf32, #tpu.memory_space<vmem_shared>>
      tpu.enqueue_indirect_dma source(%dma_start3A_47 : memref<10000x48xf32, #tpu.memory_space<vmem_shared>>) target(%dma_start3A_42 : memref<128x48xf32, #tpu.memory_space<vmem>>) offsets(%dma_start3A_44 : memref<128xi32, #tpu.memory_space<vmem>>) semaphore(%arg13 : memref<!tpu.dma_semaphore, #tpu.memory_space<semaphore_mem>>)
      %scan3A_48 = arith.constant 0 : i32
      %scan3A_49 = arith.constant 0 : i32
      %scan3A_50 = arith.constant 39 : i32
      %scan3A_51 = arith.addi %scan3A_49, %scan3A_50 : i32
      %scan3A_52 = arith.constant 1 : i32
      scf.for %scan3A_93 = %scan3A_49 to %scan3A_51 step %scan3A_52  : i32 {
        %mul3A_94 = arith.constant 4 : i32
        %mul3A_95 = arith.muli %mul3A_94, %scan3A_93 : i32
        %add3A_96 = arith.constant 0 : i32
        %add3A_97 = arith.addi %mul3A_95, %add3A_96 : i32
        %mul3A_98 = arith.constant 128 : i32
        %mul3A_99 = arith.muli %add3A_97, %mul3A_98 : i32
        %dma_wait3A_100 = arith.constant 0 : i32
        %dma_wait3A_101 = arith.constant 0 : i32
        %dma_wait3A_102 = arith.constant 0 : i32
        %dma_wait3A_103 = tpu.memref_slice %arg9[%dma_wait3A_100, %dma_wait3A_101, %dma_wait3A_102] : memref<4x128x48xf32, #tpu.memory_space<vmem>> -> memref<1x128x48xf32, #tpu.memory_space<vmem>>
        %dma_wait3A_104 = tpu.memref_squeeze %dma_wait3A_103 : memref<1x128x48xf32, #tpu.memory_space<vmem>> -> memref<128x48xf32, #tpu.memory_space<vmem>>
        %dma_wait3A_105 = tpu.memref_slice %arg7[%mul3A_99] : memref<20096xi32, #tpu.memory_space<vmem>> -> memref<128xi32, #tpu.memory_space<vmem>>
        %dma_wait3A_106 = arith.constant 0 : i32
        %dma_wait3A_107 = arith.constant 0 : i32
        %dma_wait3A_108 = tpu.memref_slice %arg11[%dma_wait3A_106, %dma_wait3A_107] : memref<10000x48xf32, #tpu.memory_space<vmem_shared>> -> memref<10000x48xf32, #tpu.memory_space<vmem_shared>>
        tpu.wait_indirect_dma semaphore(%arg12 : memref<!tpu.dma_semaphore, #tpu.memory_space<semaphore_mem>>) src(%dma_wait3A_108 : memref<10000x48xf32, #tpu.memory_space<vmem_shared>>) dst(%dma_wait3A_104 : memref<128x48xf32, #tpu.memory_space<vmem>>)
        %dma_start3A_109 = arith.constant 0 : i32
        %dma_start3A_110 = arith.constant 0 : i32
        %dma_start3A_111 = arith.constant 0 : i32
        %dma_start3A_112 = tpu.memref_slice %arg9[%dma_start3A_109, %dma_start3A_110, %dma_start3A_111] : memref<4x128x48xf32, #tpu.memory_space<vmem>> -> memref<1x128x48xf32, #tpu.memory_space<vmem>>
        %dma_start3A_113 = tpu.memref_squeeze %dma_start3A_112 : memref<1x128x48xf32, #tpu.memory_space<vmem>> -> memref<128x48xf32, #tpu.memory_space<vmem>>
        %dma_start3A_114 = arith.constant 0 : i32
        %dma_start3A_115 = tpu.memref_slice %arg8[%add3A_97, %dma_start3A_114] : memref<157x128xi32, #tpu.memory_space<vmem>> -> memref<1x128xi32, #tpu.memory_space<vmem>>
        %dma_start3A_116 = tpu.memref_squeeze %dma_start3A_115 : memref<1x128xi32, #tpu.memory_space<vmem>> -> memref<128xi32, #tpu.memory_space<vmem>>
        %dma_start3A_117 = arith.constant 0 : i32
        %dma_start3A_118 = arith.constant 0 : i32
        %dma_start3A_119 = tpu.memref_slice %arg10[%dma_start3A_117, %dma_start3A_118] : memref<10112x48xf32, #tpu.memory_space<vmem_shared>> -> memref<10112x48xf32, #tpu.memory_space<vmem_shared>>
        tpu.enqueue_indirect_dma source(%dma_start3A_113 : memref<128x48xf32, #tpu.memory_space<vmem>>) target(%dma_start3A_119 : memref<10112x48xf32, #tpu.memory_space<vmem_shared>>) offsets(%dma_start3A_116 : memref<128xi32, #tpu.memory_space<vmem>>) semaphore(%arg16 : memref<!tpu.dma_semaphore, #tpu.memory_space<semaphore_mem>>) {add = true}
        %gt3A = arith.constant 0 : i32
        %gt3A_120 = arith.cmpi sgt, %scan3A_93, %gt3A : i32
        %convert_element_type3A_121 = arith.extui %gt3A_120 : i1 to i32
        %cond3A_122 = arith.constant 0 : i32
        %cond3A_123 = arith.cmpi ne, %convert_element_type3A_121, %cond3A_122 : i32
        scf.if %cond3A_123 {
          %dma_wait3A_265 = arith.constant 2 : i32
          %dma_wait3A_266 = arith.constant 0 : i32
          %dma_wait3A_267 = arith.constant 0 : i32
          %dma_wait3A_268 = tpu.memref_slice %arg9[%dma_wait3A_265, %dma_wait3A_266, %dma_wait3A_267] : memref<4x128x48xf32, #tpu.memory_space<vmem>> -> memref<1x128x48xf32, #tpu.memory_space<vmem>>
          %dma_wait3A_269 = tpu.memref_squeeze %dma_wait3A_268 : memref<1x128x48xf32, #tpu.memory_space<vmem>> -> memref<128x48xf32, #tpu.memory_space<vmem>>
          %dma_wait3A_270 = arith.constant 0 : i32
          %dma_wait3A_271 = tpu.memref_slice %arg8[%add3A_97, %dma_wait3A_270] : memref<157x128xi32, #tpu.memory_space<vmem>> -> memref<1x128xi32, #tpu.memory_space<vmem>>
          %dma_wait3A_272 = tpu.memref_squeeze %dma_wait3A_271 : memref<1x128xi32, #tpu.memory_space<vmem>> -> memref<128xi32, #tpu.memory_space<vmem>>
          %dma_wait3A_273 = arith.constant 0 : i32
          %dma_wait3A_274 = arith.constant 0 : i32
          %dma_wait3A_275 = tpu.memref_slice %arg10[%dma_wait3A_273, %dma_wait3A_274] : memref<10112x48xf32, #tpu.memory_space<vmem_shared>> -> memref<10112x48xf32, #tpu.memory_space<vmem_shared>>
          tpu.wait_indirect_dma semaphore(%arg18 : memref<!tpu.dma_semaphore, #tpu.memory_space<semaphore_mem>>) src(%dma_wait3A_269 : memref<128x48xf32, #tpu.memory_space<vmem>>) dst(%dma_wait3A_275 : memref<10112x48xf32, #tpu.memory_space<vmem_shared>>)
        } else {
        }
        %add3A_124 = arith.constant 2 : i32
        %add3A_125 = arith.addi %add3A_97, %add3A_124 : i32
        %mul3A_126 = arith.constant 128 : i32
        %mul3A_127 = arith.muli %add3A_125, %mul3A_126 : i32
        %dma_start3A_128 = arith.constant 2 : i32
        %dma_start3A_129 = arith.constant 0 : i32
        %dma_start3A_130 = arith.constant 0 : i32
        %dma_start3A_131 = tpu.memref_slice %arg9[%dma_start3A_128, %dma_start3A_129, %dma_start3A_130] : memref<4x128x48xf32, #tpu.memory_space<vmem>> -> memref<1x128x48xf32, #tpu.memory_space<vmem>>
        %dma_start3A_132 = tpu.memref_squeeze %dma_start3A_131 : memref<1x128x48xf32, #tpu.memory_space<vmem>> -> memref<128x48xf32, #tpu.memory_space<vmem>>
        %dma_start3A_133 = tpu.memref_slice %arg7[%mul3A_127] : memref<20096xi32, #tpu.memory_space<vmem>> -> memref<128xi32, #tpu.memory_space<vmem>>
        %dma_start3A_134 = arith.constant 0 : i32
        %dma_start3A_135 = arith.constant 0 : i32
        %dma_start3A_136 = tpu.memref_slice %arg11[%dma_start3A_134, %dma_start3A_135] : memref<10000x48xf32, #tpu.memory_space<vmem_shared>> -> memref<10000x48xf32, #tpu.memory_space<vmem_shared>>
        tpu.enqueue_indirect_dma source(%dma_start3A_136 : memref<10000x48xf32, #tpu.memory_space<vmem_shared>>) target(%dma_start3A_132 : memref<128x48xf32, #tpu.memory_space<vmem>>) offsets(%dma_start3A_133 : memref<128xi32, #tpu.memory_space<vmem>>) semaphore(%arg14 : memref<!tpu.dma_semaphore, #tpu.memory_space<semaphore_mem>>)
        %mul3A_137 = arith.constant 4 : i32
        %mul3A_138 = arith.muli %mul3A_137, %scan3A_93 : i32
        %add3A_139 = arith.constant 1 : i32
        %add3A_140 = arith.addi %mul3A_138, %add3A_139 : i32
        %mul3A_141 = arith.constant 128 : i32
        %mul3A_142 = arith.muli %add3A_140, %mul3A_141 : i32
        %dma_wait3A_143 = arith.constant 1 : i32
        %dma_wait3A_144 = arith.constant 0 : i32
        %dma_wait3A_145 = arith.constant 0 : i32
        %dma_wait3A_146 = tpu.memref_slice %arg9[%dma_wait3A_143, %dma_wait3A_144, %dma_wait3A_145] : memref<4x128x48xf32, #tpu.memory_space<vmem>> -> memref<1x128x48xf32, #tpu.memory_space<vmem>>
        %dma_wait3A_147 = tpu.memref_squeeze %dma_wait3A_146 : memref<1x128x48xf32, #tpu.memory_space<vmem>> -> memref<128x48xf32, #tpu.memory_space<vmem>>
        %dma_wait3A_148 = tpu.memref_slice %arg7[%mul3A_142] : memref<20096xi32, #tpu.memory_space<vmem>> -> memref<128xi32, #tpu.memory_space<vmem>>
        %dma_wait3A_149 = arith.constant 0 : i32
        %dma_wait3A_150 = arith.constant 0 : i32
        %dma_wait3A_151 = tpu.memref_slice %arg11[%dma_wait3A_149, %dma_wait3A_150] : memref<10000x48xf32, #tpu.memory_space<vmem_shared>> -> memref<10000x48xf32, #tpu.memory_space<vmem_shared>>
        tpu.wait_indirect_dma semaphore(%arg13 : memref<!tpu.dma_semaphore, #tpu.memory_space<semaphore_mem>>) src(%dma_wait3A_151 : memref<10000x48xf32, #tpu.memory_space<vmem_shared>>) dst(%dma_wait3A_147 : memref<128x48xf32, #tpu.memory_space<vmem>>)
        %dma_start3A_152 = arith.constant 1 : i32
        %dma_start3A_153 = arith.constant 0 : i32
        %dma_start3A_154 = arith.constant 0 : i32
        %dma_start3A_155 = tpu.memref_slice %arg9[%dma_start3A_152, %dma_start3A_153, %dma_start3A_154] : memref<4x128x48xf32, #tpu.memory_space<vmem>> -> memref<1x128x48xf32, #tpu.memory_space<vmem>>
        %dma_start3A_156 = tpu.memref_squeeze %dma_start3A_155 : memref<1x128x48xf32, #tpu.memory_space<vmem>> -> memref<128x48xf32, #tpu.memory_space<vmem>>
        %dma_start3A_157 = arith.constant 0 : i32
        %dma_start3A_158 = tpu.memref_slice %arg8[%add3A_140, %dma_start3A_157] : memref<157x128xi32, #tpu.memory_space<vmem>> -> memref<1x128xi32, #tpu.memory_space<vmem>>
        %dma_start3A_159 = tpu.memref_squeeze %dma_start3A_158 : memref<1x128xi32, #tpu.memory_space<vmem>> -> memref<128xi32, #tpu.memory_space<vmem>>
        %dma_start3A_160 = arith.constant 0 : i32
        %dma_start3A_161 = arith.constant 0 : i32
        %dma_start3A_162 = tpu.memref_slice %arg10[%dma_start3A_160, %dma_start3A_161] : memref<10112x48xf32, #tpu.memory_space<vmem_shared>> -> memref<10112x48xf32, #tpu.memory_space<vmem_shared>>
        tpu.enqueue_indirect_dma source(%dma_start3A_156 : memref<128x48xf32, #tpu.memory_space<vmem>>) target(%dma_start3A_162 : memref<10112x48xf32, #tpu.memory_space<vmem_shared>>) offsets(%dma_start3A_159 : memref<128xi32, #tpu.memory_space<vmem>>) semaphore(%arg17 : memref<!tpu.dma_semaphore, #tpu.memory_space<semaphore_mem>>) {add = true}
        %gt3A_163 = arith.constant 0 : i32
        %gt3A_164 = arith.cmpi sgt, %scan3A_93, %gt3A_163 : i32
        %convert_element_type3A_165 = arith.extui %gt3A_164 : i1 to i32
        %cond3A_166 = arith.constant 0 : i32
        %cond3A_167 = arith.cmpi ne, %convert_element_type3A_165, %cond3A_166 : i32
        scf.if %cond3A_167 {
          %dma_wait3A_265 = arith.constant 3 : i32
          %dma_wait3A_266 = arith.constant 0 : i32
          %dma_wait3A_267 = arith.constant 0 : i32
          %dma_wait3A_268 = tpu.memref_slice %arg9[%dma_wait3A_265, %dma_wait3A_266, %dma_wait3A_267] : memref<4x128x48xf32, #tpu.memory_space<vmem>> -> memref<1x128x48xf32, #tpu.memory_space<vmem>>
          %dma_wait3A_269 = tpu.memref_squeeze %dma_wait3A_268 : memref<1x128x48xf32, #tpu.memory_space<vmem>> -> memref<128x48xf32, #tpu.memory_space<vmem>>
          %dma_wait3A_270 = arith.constant 0 : i32
          %dma_wait3A_271 = tpu.memref_slice %arg8[%add3A_140, %dma_wait3A_270] : memref<157x128xi32, #tpu.memory_space<vmem>> -> memref<1x128xi32, #tpu.memory_space<vmem>>
          %dma_wait3A_272 = tpu.memref_squeeze %dma_wait3A_271 : memref<1x128xi32, #tpu.memory_space<vmem>> -> memref<128xi32, #tpu.memory_space<vmem>>
          %dma_wait3A_273 = arith.constant 0 : i32
          %dma_wait3A_274 = arith.constant 0 : i32
          %dma_wait3A_275 = tpu.memref_slice %arg10[%dma_wait3A_273, %dma_wait3A_274] : memref<10112x48xf32, #tpu.memory_space<vmem_shared>> -> memref<10112x48xf32, #tpu.memory_space<vmem_shared>>
          tpu.wait_indirect_dma semaphore(%arg19 : memref<!tpu.dma_semaphore, #tpu.memory_space<semaphore_mem>>) src(%dma_wait3A_269 : memref<128x48xf32, #tpu.memory_space<vmem>>) dst(%dma_wait3A_275 : memref<10112x48xf32, #tpu.memory_space<vmem_shared>>)
        } else {
        }
        %add3A_168 = arith.constant 2 : i32
        %add3A_169 = arith.addi %add3A_140, %add3A_168 : i32
        %mul3A_170 = arith.constant 128 : i32
        %mul3A_171 = arith.muli %add3A_169, %mul3A_170 : i32
        %dma_start3A_172 = arith.constant 3 : i32
        %dma_start3A_173 = arith.constant 0 : i32
        %dma_start3A_174 = arith.constant 0 : i32
        %dma_start3A_175 = tpu.memref_slice %arg9[%dma_start3A_172, %dma_start3A_173, %dma_start3A_174] : memref<4x128x48xf32, #tpu.memory_space<vmem>> -> memref<1x128x48xf32, #tpu.memory_space<vmem>>
        %dma_start3A_176 = tpu.memref_squeeze %dma_start3A_175 : memref<1x128x48xf32, #tpu.memory_space<vmem>> -> memref<128x48xf32, #tpu.memory_space<vmem>>
        %dma_start3A_177 = tpu.memref_slice %arg7[%mul3A_171] : memref<20096xi32, #tpu.memory_space<vmem>> -> memref<128xi32, #tpu.memory_space<vmem>>
        %dma_start3A_178 = arith.constant 0 : i32
        %dma_start3A_179 = arith.constant 0 : i32
        %dma_start3A_180 = tpu.memref_slice %arg11[%dma_start3A_178, %dma_start3A_179] : memref<10000x48xf32, #tpu.memory_space<vmem_shared>> -> memref<10000x48xf32, #tpu.memory_space<vmem_shared>>
        tpu.enqueue_indirect_dma source(%dma_start3A_180 : memref<10000x48xf32, #tpu.memory_space<vmem_shared>>) target(%dma_start3A_176 : memref<128x48xf32, #tpu.memory_space<vmem>>) offsets(%dma_start3A_177 : memref<128xi32, #tpu.memory_space<vmem>>) semaphore(%arg15 : memref<!tpu.dma_semaphore, #tpu.memory_space<semaphore_mem>>)
        %mul3A_181 = arith.constant 4 : i32
        %mul3A_182 = arith.muli %mul3A_181, %scan3A_93 : i32
        %add3A_183 = arith.constant 2 : i32
        %add3A_184 = arith.addi %mul3A_182, %add3A_183 : i32
        %mul3A_185 = arith.constant 128 : i32
        %mul3A_186 = arith.muli %add3A_184, %mul3A_185 : i32
        %dma_wait3A_187 = arith.constant 2 : i32
        %dma_wait3A_188 = arith.constant 0 : i32
        %dma_wait3A_189 = arith.constant 0 : i32
        %dma_wait3A_190 = tpu.memref_slice %arg9[%dma_wait3A_187, %dma_wait3A_188, %dma_wait3A_189] : memref<4x128x48xf32, #tpu.memory_space<vmem>> -> memref<1x128x48xf32, #tpu.memory_space<vmem>>
        %dma_wait3A_191 = tpu.memref_squeeze %dma_wait3A_190 : memref<1x128x48xf32, #tpu.memory_space<vmem>> -> memref<128x48xf32, #tpu.memory_space<vmem>>
        %dma_wait3A_192 = tpu.memref_slice %arg7[%mul3A_186] : memref<20096xi32, #tpu.memory_space<vmem>> -> memref<128xi32, #tpu.memory_space<vmem>>
        %dma_wait3A_193 = arith.constant 0 : i32
        %dma_wait3A_194 = arith.constant 0 : i32
        %dma_wait3A_195 = tpu.memref_slice %arg11[%dma_wait3A_193, %dma_wait3A_194] : memref<10000x48xf32, #tpu.memory_space<vmem_shared>> -> memref<10000x48xf32, #tpu.memory_space<vmem_shared>>
        tpu.wait_indirect_dma semaphore(%arg14 : memref<!tpu.dma_semaphore, #tpu.memory_space<semaphore_mem>>) src(%dma_wait3A_195 : memref<10000x48xf32, #tpu.memory_space<vmem_shared>>) dst(%dma_wait3A_191 : memref<128x48xf32, #tpu.memory_space<vmem>>)
        %dma_start3A_196 = arith.constant 2 : i32
        %dma_start3A_197 = arith.constant 0 : i32
        %dma_start3A_198 = arith.constant 0 : i32
        %dma_start3A_199 = tpu.memref_slice %arg9[%dma_start3A_196, %dma_start3A_197, %dma_start3A_198] : memref<4x128x48xf32, #tpu.memory_space<vmem>> -> memref<1x128x48xf32, #tpu.memory_space<vmem>>
        %dma_start3A_200 = tpu.memref_squeeze %dma_start3A_199 : memref<1x128x48xf32, #tpu.memory_space<vmem>> -> memref<128x48xf32, #tpu.memory_space<vmem>>
        %dma_start3A_201 = arith.constant 0 : i32
        %dma_start3A_202 = tpu.memref_slice %arg8[%add3A_184, %dma_start3A_201] : memref<157x128xi32, #tpu.memory_space<vmem>> -> memref<1x128xi32, #tpu.memory_space<vmem>>
        %dma_start3A_203 = tpu.memref_squeeze %dma_start3A_202 : memref<1x128xi32, #tpu.memory_space<vmem>> -> memref<128xi32, #tpu.memory_space<vmem>>
        %dma_start3A_204 = arith.constant 0 : i32
        %dma_start3A_205 = arith.constant 0 : i32
        %dma_start3A_206 = tpu.memref_slice %arg10[%dma_start3A_204, %dma_start3A_205] : memref<10112x48xf32, #tpu.memory_space<vmem_shared>> -> memref<10112x48xf32, #tpu.memory_space<vmem_shared>>
        tpu.enqueue_indirect_dma source(%dma_start3A_200 : memref<128x48xf32, #tpu.memory_space<vmem>>) target(%dma_start3A_206 : memref<10112x48xf32, #tpu.memory_space<vmem_shared>>) offsets(%dma_start3A_203 : memref<128xi32, #tpu.memory_space<vmem>>) semaphore(%arg18 : memref<!tpu.dma_semaphore, #tpu.memory_space<semaphore_mem>>) {add = true}
        %dma_wait3A_207 = arith.constant 0 : i32
        %dma_wait3A_208 = arith.constant 0 : i32
        %dma_wait3A_209 = arith.constant 0 : i32
        %dma_wait3A_210 = tpu.memref_slice %arg9[%dma_wait3A_207, %dma_wait3A_208, %dma_wait3A_209] : memref<4x128x48xf32, #tpu.memory_space<vmem>> -> memref<1x128x48xf32, #tpu.memory_space<vmem>>
        %dma_wait3A_211 = tpu.memref_squeeze %dma_wait3A_210 : memref<1x128x48xf32, #tpu.memory_space<vmem>> -> memref<128x48xf32, #tpu.memory_space<vmem>>
        %dma_wait3A_212 = arith.constant 0 : i32
        %dma_wait3A_213 = tpu.memref_slice %arg8[%add3A_184, %dma_wait3A_212] : memref<157x128xi32, #tpu.memory_space<vmem>> -> memref<1x128xi32, #tpu.memory_space<vmem>>
        %dma_wait3A_214 = tpu.memref_squeeze %dma_wait3A_213 : memref<1x128xi32, #tpu.memory_space<vmem>> -> memref<128xi32, #tpu.memory_space<vmem>>
        %dma_wait3A_215 = arith.constant 0 : i32
        %dma_wait3A_216 = arith.constant 0 : i32
        %dma_wait3A_217 = tpu.memref_slice %arg10[%dma_wait3A_215, %dma_wait3A_216] : memref<10112x48xf32, #tpu.memory_space<vmem_shared>> -> memref<10112x48xf32, #tpu.memory_space<vmem_shared>>
        tpu.wait_indirect_dma semaphore(%arg16 : memref<!tpu.dma_semaphore, #tpu.memory_space<semaphore_mem>>) src(%dma_wait3A_211 : memref<128x48xf32, #tpu.memory_space<vmem>>) dst(%dma_wait3A_217 : memref<10112x48xf32, #tpu.memory_space<vmem_shared>>)
        %lt3A_218 = arith.constant 38 : i32
        %lt3A_219 = arith.cmpi slt, %scan3A_93, %lt3A_218 : i32
        %convert_element_type3A_220 = arith.extui %lt3A_219 : i1 to i32
        %cond3A_221 = arith.constant 0 : i32
        %cond3A_222 = arith.cmpi ne, %convert_element_type3A_220, %cond3A_221 : i32
        scf.if %cond3A_222 {
          %add3A_265 = arith.constant 2 : i32
          %add3A_266 = arith.addi %add3A_184, %add3A_265 : i32
          %mul3A_267 = arith.constant 128 : i32
          %mul3A_268 = arith.muli %add3A_266, %mul3A_267 : i32
          %dma_start3A_269 = arith.constant 0 : i32
          %dma_start3A_270 = arith.constant 0 : i32
          %dma_start3A_271 = arith.constant 0 : i32
          %dma_start3A_272 = tpu.memref_slice %arg9[%dma_start3A_269, %dma_start3A_270, %dma_start3A_271] : memref<4x128x48xf32, #tpu.memory_space<vmem>> -> memref<1x128x48xf32, #tpu.memory_space<vmem>>
          %dma_start3A_273 = tpu.memref_squeeze %dma_start3A_272 : memref<1x128x48xf32, #tpu.memory_space<vmem>> -> memref<128x48xf32, #tpu.memory_space<vmem>>
          %dma_start3A_274 = tpu.memref_slice %arg7[%mul3A_268] : memref<20096xi32, #tpu.memory_space<vmem>> -> memref<128xi32, #tpu.memory_space<vmem>>
          %dma_start3A_275 = arith.constant 0 : i32
          %dma_start3A_276 = arith.constant 0 : i32
          %dma_start3A_277 = tpu.memref_slice %arg11[%dma_start3A_275, %dma_start3A_276] : memref<10000x48xf32, #tpu.memory_space<vmem_shared>> -> memref<10000x48xf32, #tpu.memory_space<vmem_shared>>
          tpu.enqueue_indirect_dma source(%dma_start3A_277 : memref<10000x48xf32, #tpu.memory_space<vmem_shared>>) target(%dma_start3A_273 : memref<128x48xf32, #tpu.memory_space<vmem>>) offsets(%dma_start3A_274 : memref<128xi32, #tpu.memory_space<vmem>>) semaphore(%arg12 : memref<!tpu.dma_semaphore, #tpu.memory_space<semaphore_mem>>)
        } else {
        }
        %mul3A_223 = arith.constant 4 : i32
        %mul3A_224 = arith.muli %mul3A_223, %scan3A_93 : i32
        %add3A_225 = arith.constant 3 : i32
        %add3A_226 = arith.addi %mul3A_224, %add3A_225 : i32
        %mul3A_227 = arith.constant 128 : i32
        %mul3A_228 = arith.muli %add3A_226, %mul3A_227 : i32
        %dma_wait3A_229 = arith.constant 3 : i32
        %dma_wait3A_230 = arith.constant 0 : i32
        %dma_wait3A_231 = arith.constant 0 : i32
        %dma_wait3A_232 = tpu.memref_slice %arg9[%dma_wait3A_229, %dma_wait3A_230, %dma_wait3A_231] : memref<4x128x48xf32, #tpu.memory_space<vmem>> -> memref<1x128x48xf32, #tpu.memory_space<vmem>>
        %dma_wait3A_233 = tpu.memref_squeeze %dma_wait3A_232 : memref<1x128x48xf32, #tpu.memory_space<vmem>> -> memref<128x48xf32, #tpu.memory_space<vmem>>
        %dma_wait3A_234 = tpu.memref_slice %arg7[%mul3A_228] : memref<20096xi32, #tpu.memory_space<vmem>> -> memref<128xi32, #tpu.memory_space<vmem>>
        %dma_wait3A_235 = arith.constant 0 : i32
        %dma_wait3A_236 = arith.constant 0 : i32
        %dma_wait3A_237 = tpu.memref_slice %arg11[%dma_wait3A_235, %dma_wait3A_236] : memref<10000x48xf32, #tpu.memory_space<vmem_shared>> -> memref<10000x48xf32, #tpu.memory_space<vmem_shared>>
        tpu.wait_indirect_dma semaphore(%arg15 : memref<!tpu.dma_semaphore, #tpu.memory_space<semaphore_mem>>) src(%dma_wait3A_237 : memref<10000x48xf32, #tpu.memory_space<vmem_shared>>) dst(%dma_wait3A_233 : memref<128x48xf32, #tpu.memory_space<vmem>>)
        %dma_start3A_238 = arith.constant 3 : i32
        %dma_start3A_239 = arith.constant 0 : i32
        %dma_start3A_240 = arith.constant 0 : i32
        %dma_start3A_241 = tpu.memref_slice %arg9[%dma_start3A_238, %dma_start3A_239, %dma_start3A_240] : memref<4x128x48xf32, #tpu.memory_space<vmem>> -> memref<1x128x48xf32, #tpu.memory_space<vmem>>
        %dma_start3A_242 = tpu.memref_squeeze %dma_start3A_241 : memref<1x128x48xf32, #tpu.memory_space<vmem>> -> memref<128x48xf32, #tpu.memory_space<vmem>>
        %dma_start3A_243 = arith.constant 0 : i32
        %dma_start3A_244 = tpu.memref_slice %arg8[%add3A_226, %dma_start3A_243] : memref<157x128xi32, #tpu.memory_space<vmem>> -> memref<1x128xi32, #tpu.memory_space<vmem>>
        %dma_start3A_245 = tpu.memref_squeeze %dma_start3A_244 : memref<1x128xi32, #tpu.memory_space<vmem>> -> memref<128xi32, #tpu.memory_space<vmem>>
        %dma_start3A_246 = arith.constant 0 : i32
        %dma_start3A_247 = arith.constant 0 : i32
        %dma_start3A_248 = tpu.memref_slice %arg10[%dma_start3A_246, %dma_start3A_247] : memref<10112x48xf32, #tpu.memory_space<vmem_shared>> -> memref<10112x48xf32, #tpu.memory_space<vmem_shared>>
        tpu.enqueue_indirect_dma source(%dma_start3A_242 : memref<128x48xf32, #tpu.memory_space<vmem>>) target(%dma_start3A_248 : memref<10112x48xf32, #tpu.memory_space<vmem_shared>>) offsets(%dma_start3A_245 : memref<128xi32, #tpu.memory_space<vmem>>) semaphore(%arg19 : memref<!tpu.dma_semaphore, #tpu.memory_space<semaphore_mem>>) {add = true}
        %dma_wait3A_249 = arith.constant 1 : i32
        %dma_wait3A_250 = arith.constant 0 : i32
        %dma_wait3A_251 = arith.constant 0 : i32
        %dma_wait3A_252 = tpu.memref_slice %arg9[%dma_wait3A_249, %dma_wait3A_250, %dma_wait3A_251] : memref<4x128x48xf32, #tpu.memory_space<vmem>> -> memref<1x128x48xf32, #tpu.memory_space<vmem>>
        %dma_wait3A_253 = tpu.memref_squeeze %dma_wait3A_252 : memref<1x128x48xf32, #tpu.memory_space<vmem>> -> memref<128x48xf32, #tpu.memory_space<vmem>>
        %dma_wait3A_254 = arith.constant 0 : i32
        %dma_wait3A_255 = tpu.memref_slice %arg8[%add3A_226, %dma_wait3A_254] : memref<157x128xi32, #tpu.memory_space<vmem>> -> memref<1x128xi32, #tpu.memory_space<vmem>>
        %dma_wait3A_256 = tpu.memref_squeeze %dma_wait3A_255 : memref<1x128xi32, #tpu.memory_space<vmem>> -> memref<128xi32, #tpu.memory_space<vmem>>
        %dma_wait3A_257 = arith.constant 0 : i32
        %dma_wait3A_258 = arith.constant 0 : i32
        %dma_wait3A_259 = tpu.memref_slice %arg10[%dma_wait3A_257, %dma_wait3A_258] : memref<10112x48xf32, #tpu.memory_space<vmem_shared>> -> memref<10112x48xf32, #tpu.memory_space<vmem_shared>>
        tpu.wait_indirect_dma semaphore(%arg17 : memref<!tpu.dma_semaphore, #tpu.memory_space<semaphore_mem>>) src(%dma_wait3A_253 : memref<128x48xf32, #tpu.memory_space<vmem>>) dst(%dma_wait3A_259 : memref<10112x48xf32, #tpu.memory_space<vmem_shared>>)
        %lt3A_260 = arith.constant 38 : i32
        %lt3A_261 = arith.cmpi slt, %scan3A_93, %lt3A_260 : i32
        %convert_element_type3A_262 = arith.extui %lt3A_261 : i1 to i32
        %cond3A_263 = arith.constant 0 : i32
        %cond3A_264 = arith.cmpi ne, %convert_element_type3A_262, %cond3A_263 : i32
        scf.if %cond3A_264 {
          %add3A_265 = arith.constant 2 : i32
          %add3A_266 = arith.addi %add3A_226, %add3A_265 : i32
          %mul3A_267 = arith.constant 128 : i32
          %mul3A_268 = arith.muli %add3A_266, %mul3A_267 : i32
          %dma_start3A_269 = arith.constant 1 : i32
          %dma_start3A_270 = arith.constant 0 : i32
          %dma_start3A_271 = arith.constant 0 : i32
          %dma_start3A_272 = tpu.memref_slice %arg9[%dma_start3A_269, %dma_start3A_270, %dma_start3A_271] : memref<4x128x48xf32, #tpu.memory_space<vmem>> -> memref<1x128x48xf32, #tpu.memory_space<vmem>>
          %dma_start3A_273 = tpu.memref_squeeze %dma_start3A_272 : memref<1x128x48xf32, #tpu.memory_space<vmem>> -> memref<128x48xf32, #tpu.memory_space<vmem>>
          %dma_start3A_274 = tpu.memref_slice %arg7[%mul3A_268] : memref<20096xi32, #tpu.memory_space<vmem>> -> memref<128xi32, #tpu.memory_space<vmem>>
          %dma_start3A_275 = arith.constant 0 : i32
          %dma_start3A_276 = arith.constant 0 : i32
          %dma_start3A_277 = tpu.memref_slice %arg11[%dma_start3A_275, %dma_start3A_276] : memref<10000x48xf32, #tpu.memory_space<vmem_shared>> -> memref<10000x48xf32, #tpu.memory_space<vmem_shared>>
          tpu.enqueue_indirect_dma source(%dma_start3A_277 : memref<10000x48xf32, #tpu.memory_space<vmem_shared>>) target(%dma_start3A_273 : memref<128x48xf32, #tpu.memory_space<vmem>>) offsets(%dma_start3A_274 : memref<128xi32, #tpu.memory_space<vmem>>) semaphore(%arg13 : memref<!tpu.dma_semaphore, #tpu.memory_space<semaphore_mem>>)
        } else {
        }
      }
      %scan3A_53 = arith.constant 39 : i32
      %dma_wait3A = arith.constant 2 : i32
      %dma_wait3A_54 = arith.constant 154 : i32
      %dma_wait3A_55 = arith.constant 0 : i32
      %dma_wait3A_56 = arith.constant 0 : i32
      %dma_wait3A_57 = tpu.memref_slice %arg9[%dma_wait3A, %dma_wait3A_55, %dma_wait3A_56] : memref<4x128x48xf32, #tpu.memory_space<vmem>> -> memref<1x128x48xf32, #tpu.memory_space<vmem>>
      %dma_wait3A_58 = tpu.memref_squeeze %dma_wait3A_57 : memref<1x128x48xf32, #tpu.memory_space<vmem>> -> memref<128x48xf32, #tpu.memory_space<vmem>>
      %dma_wait3A_59 = arith.constant 0 : i32
      %dma_wait3A_60 = tpu.memref_slice %arg8[%dma_wait3A_54, %dma_wait3A_59] : memref<157x128xi32, #tpu.memory_space<vmem>> -> memref<1x128xi32, #tpu.memory_space<vmem>>
      %dma_wait3A_61 = tpu.memref_squeeze %dma_wait3A_60 : memref<1x128xi32, #tpu.memory_space<vmem>> -> memref<128xi32, #tpu.memory_space<vmem>>
      %dma_wait3A_62 = arith.constant 0 : i32
      %dma_wait3A_63 = arith.constant 0 : i32
      %dma_wait3A_64 = tpu.memref_slice %arg10[%dma_wait3A_62, %dma_wait3A_63] : memref<10112x48xf32, #tpu.memory_space<vmem_shared>> -> memref<10112x48xf32, #tpu.memory_space<vmem_shared>>
      tpu.wait_indirect_dma semaphore(%arg18 : memref<!tpu.dma_semaphore, #tpu.memory_space<semaphore_mem>>) src(%dma_wait3A_58 : memref<128x48xf32, #tpu.memory_space<vmem>>) dst(%dma_wait3A_64 : memref<10112x48xf32, #tpu.memory_space<vmem_shared>>)
      %dma_wait3A_65 = arith.constant 3 : i32
      %dma_wait3A_66 = arith.constant 155 : i32
      %dma_wait3A_67 = arith.constant 0 : i32
      %dma_wait3A_68 = arith.constant 0 : i32
      %dma_wait3A_69 = tpu.memref_slice %arg9[%dma_wait3A_65, %dma_wait3A_67, %dma_wait3A_68] : memref<4x128x48xf32, #tpu.memory_space<vmem>> -> memref<1x128x48xf32, #tpu.memory_space<vmem>>
      %dma_wait3A_70 = tpu.memref_squeeze %dma_wait3A_69 : memref<1x128x48xf32, #tpu.memory_space<vmem>> -> memref<128x48xf32, #tpu.memory_space<vmem>>
      %dma_wait3A_71 = arith.constant 0 : i32
      %dma_wait3A_72 = tpu.memref_slice %arg8[%dma_wait3A_66, %dma_wait3A_71] : memref<157x128xi32, #tpu.memory_space<vmem>> -> memref<1x128xi32, #tpu.memory_space<vmem>>
      %dma_wait3A_73 = tpu.memref_squeeze %dma_wait3A_72 : memref<1x128xi32, #tpu.memory_space<vmem>> -> memref<128xi32, #tpu.memory_space<vmem>>
      %dma_wait3A_74 = arith.constant 0 : i32
      %dma_wait3A_75 = arith.constant 0 : i32
      %dma_wait3A_76 = tpu.memref_slice %arg10[%dma_wait3A_74, %dma_wait3A_75] : memref<10112x48xf32, #tpu.memory_space<vmem_shared>> -> memref<10112x48xf32, #tpu.memory_space<vmem_shared>>
      tpu.wait_indirect_dma semaphore(%arg19 : memref<!tpu.dma_semaphore, #tpu.memory_space<semaphore_mem>>) src(%dma_wait3A_70 : memref<128x48xf32, #tpu.memory_space<vmem>>) dst(%dma_wait3A_76 : memref<10112x48xf32, #tpu.memory_space<vmem_shared>>)
      %lt3A_77 = arith.constant 4 : i32
      %lt3A_78 = arith.cmpi slt, %arg1, %lt3A_77 : i32
      %convert_element_type3A_79 = arith.extui %lt3A_78 : i1 to i32
      %cond3A_80 = arith.constant 0 : i32
      %cond3A_81 = arith.cmpi ne, %convert_element_type3A_79, %cond3A_80 : i32
      scf.if %cond3A_81 {
        %dma_start3A_93 = arith.constant 0 : i32
        %dma_start3A_94 = arith.constant 0 : i32
        %dma_start3A_95 = arith.constant 0 : i32
        %dma_start3A_96 = tpu.memref_slice %arg9[%dma_start3A_93, %dma_start3A_94, %dma_start3A_95] : memref<4x128x48xf32, #tpu.memory_space<vmem>> -> memref<1x128x48xf32, #tpu.memory_space<vmem>>
        %dma_start3A_97 = tpu.memref_squeeze %dma_start3A_96 : memref<1x128x48xf32, #tpu.memory_space<vmem>> -> memref<128x48xf32, #tpu.memory_space<vmem>>
        %dma_start3A_98 = arith.constant 19968 : i32
        %dma_start3A_99 = tpu.memref_slice %arg7[%dma_start3A_98] : memref<20096xi32, #tpu.memory_space<vmem>> -> memref<128xi32, #tpu.memory_space<vmem>>
        %dma_start3A_100 = arith.constant 0 : i32
        %dma_start3A_101 = arith.constant 0 : i32
        %dma_start3A_102 = tpu.memref_slice %arg11[%dma_start3A_100, %dma_start3A_101] : memref<10000x48xf32, #tpu.memory_space<vmem_shared>> -> memref<10000x48xf32, #tpu.memory_space<vmem_shared>>
        tpu.enqueue_indirect_dma source(%dma_start3A_102 : memref<10000x48xf32, #tpu.memory_space<vmem_shared>>) target(%dma_start3A_97 : memref<128x48xf32, #tpu.memory_space<vmem>>) offsets(%dma_start3A_99 : memref<128xi32, #tpu.memory_space<vmem>>) semaphore(%arg12 : memref<!tpu.dma_semaphore, #tpu.memory_space<semaphore_mem>>)
        %dma_wait3A_103 = arith.constant 0 : i32
        %dma_wait3A_104 = arith.constant 0 : i32
        %dma_wait3A_105 = arith.constant 0 : i32
        %dma_wait3A_106 = tpu.memref_slice %arg9[%dma_wait3A_103, %dma_wait3A_104, %dma_wait3A_105] : memref<4x128x48xf32, #tpu.memory_space<vmem>> -> memref<1x128x48xf32, #tpu.memory_space<vmem>>
        %dma_wait3A_107 = tpu.memref_squeeze %dma_wait3A_106 : memref<1x128x48xf32, #tpu.memory_space<vmem>> -> memref<128x48xf32, #tpu.memory_space<vmem>>
        %dma_wait3A_108 = arith.constant 19968 : i32
        %dma_wait3A_109 = tpu.memref_slice %arg7[%dma_wait3A_108] : memref<20096xi32, #tpu.memory_space<vmem>> -> memref<128xi32, #tpu.memory_space<vmem>>
        %dma_wait3A_110 = arith.constant 0 : i32
        %dma_wait3A_111 = arith.constant 0 : i32
        %dma_wait3A_112 = tpu.memref_slice %arg11[%dma_wait3A_110, %dma_wait3A_111] : memref<10000x48xf32, #tpu.memory_space<vmem_shared>> -> memref<10000x48xf32, #tpu.memory_space<vmem_shared>>
        tpu.wait_indirect_dma semaphore(%arg12 : memref<!tpu.dma_semaphore, #tpu.memory_space<semaphore_mem>>) src(%dma_wait3A_112 : memref<10000x48xf32, #tpu.memory_space<vmem_shared>>) dst(%dma_wait3A_107 : memref<128x48xf32, #tpu.memory_space<vmem>>)
        %dma_start3A_113 = arith.constant 0 : i32
        %dma_start3A_114 = arith.constant 156 : i32
        %dma_start3A_115 = arith.constant 0 : i32
        %dma_start3A_116 = arith.constant 0 : i32
        %dma_start3A_117 = tpu.memref_slice %arg9[%dma_start3A_113, %dma_start3A_115, %dma_start3A_116] : memref<4x128x48xf32, #tpu.memory_space<vmem>> -> memref<1x128x48xf32, #tpu.memory_space<vmem>>
        %dma_start3A_118 = tpu.memref_squeeze %dma_start3A_117 : memref<1x128x48xf32, #tpu.memory_space<vmem>> -> memref<128x48xf32, #tpu.memory_space<vmem>>
        %dma_start3A_119 = arith.constant 0 : i32
        %dma_start3A_120 = tpu.memref_slice %arg8[%dma_start3A_114, %dma_start3A_119] : memref<157x128xi32, #tpu.memory_space<vmem>> -> memref<1x128xi32, #tpu.memory_space<vmem>>
        %dma_start3A_121 = tpu.memref_squeeze %dma_start3A_120 : memref<1x128xi32, #tpu.memory_space<vmem>> -> memref<128xi32, #tpu.memory_space<vmem>>
        %dma_start3A_122 = arith.constant 0 : i32
        %dma_start3A_123 = arith.constant 0 : i32
        %dma_start3A_124 = tpu.memref_slice %arg10[%dma_start3A_122, %dma_start3A_123] : memref<10112x48xf32, #tpu.memory_space<vmem_shared>> -> memref<10112x48xf32, #tpu.memory_space<vmem_shared>>
        tpu.enqueue_indirect_dma source(%dma_start3A_118 : memref<128x48xf32, #tpu.memory_space<vmem>>) target(%dma_start3A_124 : memref<10112x48xf32, #tpu.memory_space<vmem_shared>>) offsets(%dma_start3A_121 : memref<128xi32, #tpu.memory_space<vmem>>) semaphore(%arg16 : memref<!tpu.dma_semaphore, #tpu.memory_space<semaphore_mem>>) {add = true}
        %dma_wait3A_125 = arith.constant 0 : i32
        %dma_wait3A_126 = arith.constant 156 : i32
        %dma_wait3A_127 = arith.constant 0 : i32
        %dma_wait3A_128 = arith.constant 0 : i32
        %dma_wait3A_129 = tpu.memref_slice %arg9[%dma_wait3A_125, %dma_wait3A_127, %dma_wait3A_128] : memref<4x128x48xf32, #tpu.memory_space<vmem>> -> memref<1x128x48xf32, #tpu.memory_space<vmem>>
        %dma_wait3A_130 = tpu.memref_squeeze %dma_wait3A_129 : memref<1x128x48xf32, #tpu.memory_space<vmem>> -> memref<128x48xf32, #tpu.memory_space<vmem>>
        %dma_wait3A_131 = arith.constant 0 : i32
        %dma_wait3A_132 = tpu.memref_slice %arg8[%dma_wait3A_126, %dma_wait3A_131] : memref<157x128xi32, #tpu.memory_space<vmem>> -> memref<1x128xi32, #tpu.memory_space<vmem>>
        %dma_wait3A_133 = tpu.memref_squeeze %dma_wait3A_132 : memref<1x128xi32, #tpu.memory_space<vmem>> -> memref<128xi32, #tpu.memory_space<vmem>>
        %dma_wait3A_134 = arith.constant 0 : i32
        %dma_wait3A_135 = arith.constant 0 : i32
        %dma_wait3A_136 = tpu.memref_slice %arg10[%dma_wait3A_134, %dma_wait3A_135] : memref<10112x48xf32, #tpu.memory_space<vmem_shared>> -> memref<10112x48xf32, #tpu.memory_space<vmem_shared>>
        tpu.wait_indirect_dma semaphore(%arg16 : memref<!tpu.dma_semaphore, #tpu.memory_space<semaphore_mem>>) src(%dma_wait3A_130 : memref<128x48xf32, #tpu.memory_space<vmem>>) dst(%dma_wait3A_136 : memref<10112x48xf32, #tpu.memory_space<vmem_shared>>)
      } else {
      }
      %barrier3A_82 = arith.constant 0 : index
      tpu.barrier barrier_id(%barrier3A_82)
      %eq3A_83 = arith.constant 15 : i32
      %eq3A_84 = arith.cmpi eq, %arg1, %eq3A_83 : i32
      %convert_element_type3A_85 = arith.extui %eq3A_84 : i1 to i32
      %cond3A_86 = arith.constant 0 : i32
      %cond3A_87 = arith.cmpi ne, %convert_element_type3A_85, %cond3A_86 : i32
      scf.if %cond3A_87 {
        %mul3A_93 = arith.constant 10000 : i32
        %mul3A_94 = arith.muli %add3A_16, %mul3A_93 : i32
        %add3A_95 = arith.constant 9480 : i32
        %add3A_96 = arith.addi %mul3A_94, %add3A_95 : i32
        "tpu.region"() ({
          %run_scoped3A = tpu.sem_alloc : memref<!tpu.dma_semaphore, #tpu.memory_space<semaphore_mem>>
          %dma_start3A_97 = arith.constant 0 : i32
          %dma_start3A_98 = tpu.memref_slice %arg6[%add3A_96, %dma_start3A_97] : memref<60000x48xf32, #tpu.memory_space<hbm>> -> memref<520x48xf32, #tpu.memory_space<hbm>>
          %dma_start3A_99 = arith.constant 9480 : i32
          %dma_start3A_100 = arith.constant 0 : i32
          %dma_start3A_101 = tpu.memref_slice %arg10[%dma_start3A_99, %dma_start3A_100] : memref<10112x48xf32, #tpu.memory_space<vmem_shared>> -> memref<520x48xf32, #tpu.memory_space<vmem_shared>>
          tpu.enqueue_dma source(%dma_start3A_101 : memref<520x48xf32, #tpu.memory_space<vmem_shared>>) target(%dma_start3A_98 : memref<520x48xf32, #tpu.memory_space<hbm>>) target_semaphore(%run_scoped3A : memref<!tpu.dma_semaphore, #tpu.memory_space<semaphore_mem>>)
          %dma_wait3A_102 = arith.constant 0 : i32
          %dma_wait3A_103 = tpu.memref_slice %arg6[%add3A_96, %dma_wait3A_102] : memref<60000x48xf32, #tpu.memory_space<hbm>> -> memref<520x48xf32, #tpu.memory_space<hbm>>
          %dma_wait3A_104 = arith.constant 9480 : i32
          %dma_wait3A_105 = arith.constant 0 : i32
          %dma_wait3A_106 = tpu.memref_slice %arg10[%dma_wait3A_104, %dma_wait3A_105] : memref<10112x48xf32, #tpu.memory_space<vmem_shared>> -> memref<520x48xf32, #tpu.memory_space<vmem_shared>>
          tpu.wait_dma2 semaphore(%run_scoped3A : memref<!tpu.dma_semaphore, #tpu.memory_space<semaphore_mem>>) src(%dma_wait3A_106 : memref<520x48xf32, #tpu.memory_space<vmem_shared>>) dst(%dma_wait3A_103 : memref<520x48xf32, #tpu.memory_space<hbm>>)
          tpu.yield
        }) : () -> ()
      } else {
      }
      %ne3A_88 = arith.constant 15 : i32
      %ne3A_89 = arith.cmpi ne, %arg1, %ne3A_88 : i32
      %convert_element_type3A_90 = arith.extui %ne3A_89 : i1 to i32
      %cond3A_91 = arith.constant 0 : i32
      %cond3A_92 = arith.cmpi ne, %convert_element_type3A_90, %cond3A_91 : i32
      scf.if %cond3A_92 {
        %mul3A_93 = arith.constant 632 : i32
        %mul3A_94 = arith.muli %arg1, %mul3A_93 : i32
        %mul3A_95 = arith.constant 10000 : i32
        %mul3A_96 = arith.muli %add3A_16, %mul3A_95 : i32
        %mul3A_97 = arith.constant 632 : i32
        %mul3A_98 = arith.muli %arg1, %mul3A_97 : i32
        %add3A_99 = arith.addi %mul3A_96, %mul3A_98 : i32
        "tpu.region"() ({
          %run_scoped3A = tpu.sem_alloc : memref<!tpu.dma_semaphore, #tpu.memory_space<semaphore_mem>>
          %dma_start3A_100 = arith.constant 0 : i32
          %dma_start3A_101 = tpu.memref_slice %arg6[%add3A_99, %dma_start3A_100] : memref<60000x48xf32, #tpu.memory_space<hbm>> -> memref<632x48xf32, #tpu.memory_space<hbm>>
          %dma_start3A_102 = arith.constant 0 : i32
          %dma_start3A_103 = tpu.memref_slice %arg10[%mul3A_94, %dma_start3A_102] : memref<10112x48xf32, #tpu.memory_space<vmem_shared>> -> memref<632x48xf32, #tpu.memory_space<vmem_shared>>
          tpu.enqueue_dma source(%dma_start3A_103 : memref<632x48xf32, #tpu.memory_space<vmem_shared>>) target(%dma_start3A_101 : memref<632x48xf32, #tpu.memory_space<hbm>>) target_semaphore(%run_scoped3A : memref<!tpu.dma_semaphore, #tpu.memory_space<semaphore_mem>>)
          %dma_wait3A_104 = arith.constant 0 : i32
          %dma_wait3A_105 = tpu.memref_slice %arg6[%add3A_99, %dma_wait3A_104] : memref<60000x48xf32, #tpu.memory_space<hbm>> -> memref<632x48xf32, #tpu.memory_space<hbm>>
          %dma_wait3A_106 = arith.constant 0 : i32
          %dma_wait3A_107 = tpu.memref_slice %arg10[%mul3A_94, %dma_wait3A_106] : memref<10112x48xf32, #tpu.memory_space<vmem_shared>> -> memref<632x48xf32, #tpu.memory_space<vmem_shared>>
          tpu.wait_dma2 semaphore(%run_scoped3A : memref<!tpu.dma_semaphore, #tpu.memory_space<semaphore_mem>>) src(%dma_wait3A_107 : memref<632x48xf32, #tpu.memory_space<vmem_shared>>) dst(%dma_wait3A_105 : memref<632x48xf32, #tpu.memory_space<hbm>>)
          tpu.yield
        }) : () -> ()
      } else {
      }
    }
    %scan3A_12 = arith.constant 3 : i32
    return
  }
}

module attributes {stable_mosaic.version = 14 : i64} {
  func.func @_tc_body(%arg0: i32, %arg1: i32, %arg2: memref<2000x24xf32, #tpu.memory_space<vmem>>, %arg3: memref<2000x48xf32, #tpu.memory_space<vmem>>, %arg4: memref<24x12xf32, #tpu.memory_space<vmem>>, %arg5: memref<24x12xf32, #tpu.memory_space<vmem>>, %arg6: memref<24x12xf32, #tpu.memory_space<vmem>>, %arg7: memref<24x12xf32, #tpu.memory_space<vmem>>, %arg8: memref<1x12xf32, #tpu.memory_space<vmem>>, %arg9: memref<1x12xf32, #tpu.memory_space<vmem>>, %arg10: memref<12x12xf32, #tpu.memory_space<vmem>>, %arg11: memref<1x12xf32, #tpu.memory_space<vmem>>, %arg12: memref<12x12xf32, #tpu.memory_space<vmem>>, %arg13: memref<1x12xf32, #tpu.memory_space<vmem>>, %arg14: memref<2000x12xf32, #tpu.memory_space<vmem>>) attributes {dimension_semantics = [#tpu.dimension_semantics<arbitrary>, #tpu.dimension_semantics<arbitrary>], iteration_bounds = array<i64: 12, 5>, scalar_prefetch = 0 : i64, scratch_operands = 0 : i64, tpu.core_type = #tpu.core_type<tc>, window_params = [{transform_indices = @transform_0, window_bounds = array<i64: 2000, 24>}, {transform_indices = @transform_1, window_bounds = array<i64: 2000, 48>}, {pipeline_mode = #tpu.pipeline_mode<synchronous>, transform_indices = @transform_2, window_bounds = array<i64: 24, 12>}, {pipeline_mode = #tpu.pipeline_mode<synchronous>, transform_indices = @transform_3, window_bounds = array<i64: 24, 12>}, {pipeline_mode = #tpu.pipeline_mode<synchronous>, transform_indices = @transform_4, window_bounds = array<i64: 24, 12>}, {pipeline_mode = #tpu.pipeline_mode<synchronous>, transform_indices = @transform_5, window_bounds = array<i64: 24, 12>}, {pipeline_mode = #tpu.pipeline_mode<synchronous>, transform_indices = @transform_6, window_bounds = array<i64: 1, 12>}, {pipeline_mode = #tpu.pipeline_mode<synchronous>, transform_indices = @transform_7, window_bounds = array<i64: 1, 12>}, {pipeline_mode = #tpu.pipeline_mode<synchronous>, transform_indices = @transform_8, window_bounds = array<i64: 12, 12>}, {pipeline_mode = #tpu.pipeline_mode<synchronous>, transform_indices = @transform_9, window_bounds = array<i64: 1, 12>}, {pipeline_mode = #tpu.pipeline_mode<synchronous>, transform_indices = @transform_10, window_bounds = array<i64: 12, 12>}, {pipeline_mode = #tpu.pipeline_mode<synchronous>, transform_indices = @transform_11, window_bounds = array<i64: 1, 12>}, {transform_indices = @transform_12, window_bounds = array<i64: 2000, 12>}]} {
    %get3A = arith.constant 0 : index
    %get3A_0 = arith.constant 0 : index
    %get3A_1 = vector.load %arg2[%get3A, %get3A_0] : memref<2000x24xf32, #tpu.memory_space<vmem>>, vector<2000x24xf32>
    %rem3A = arith.constant 2 : i32
    %rem3A_2 = arith.remsi %arg0, %rem3A : i32
    %get3A_3 = arith.constant 0 : index
    %get3A_4 = arith.constant 0 : index
    %get3A_5 = vector.load %arg3[%get3A_3, %get3A_4] : memref<2000x48xf32, #tpu.memory_space<vmem>>, vector<2000x48xf32>
    %eq3A = arith.constant 0 : i32
    %eq3A_6 = arith.cmpi eq, %rem3A_2, %eq3A : i32
    %slice3A = vector.extract_strided_slice %get3A_5 {offsets = [0, 0], sizes = [2000, 24], strides = [1, 1]} : vector<2000x48xf32> to vector<2000x24xf32>
    %slice3A_7 = vector.extract_strided_slice %get3A_5 {offsets = [0, 24], sizes = [2000, 24], strides = [1, 1]} : vector<2000x48xf32> to vector<2000x24xf32>
    %select_n3A = arith.select %eq3A_6, %slice3A, %slice3A_7 : vector<2000x24xf32>
    %get3A_8 = arith.constant 0 : index
    %get3A_9 = arith.constant 0 : index
    %get3A_10 = vector.load %arg4[%get3A_8, %get3A_9] : memref<24x12xf32, #tpu.memory_space<vmem>>, vector<24x12xf32>
    %dot_general3A = arith.constant dense<0.000000e+00> : vector<2000x12xf32>
    %dot_general3A_11 = tpu.matmul %get3A_1, %get3A_10, %dot_general3A {dimension_numbers = #tpu.dot_dimension_numbers<[1], [0], [0], [1], [0, 0, 1, 1], [], []>, transpose_lhs_hint = false} : vector<2000x24xf32>, vector<24x12xf32>, vector<2000x12xf32> -> vector<2000x12xf32>
    %get3A_12 = arith.constant 0 : index
    %get3A_13 = arith.constant 0 : index
    %get3A_14 = vector.load %arg5[%get3A_12, %get3A_13] : memref<24x12xf32, #tpu.memory_space<vmem>>, vector<24x12xf32>
    %dot_general3A_15 = arith.constant dense<0.000000e+00> : vector<2000x12xf32>
    %dot_general3A_16 = tpu.matmul %select_n3A, %get3A_14, %dot_general3A_15 {dimension_numbers = #tpu.dot_dimension_numbers<[1], [0], [0], [1], [0, 0, 1, 1], [], []>, transpose_lhs_hint = false} : vector<2000x24xf32>, vector<24x12xf32>, vector<2000x12xf32> -> vector<2000x12xf32>
    %add3A = arith.addf %dot_general3A_11, %dot_general3A_16 : vector<2000x12xf32>
    %get3A_17 = arith.constant 0 : index
    %get3A_18 = arith.constant 0 : index
    %get3A_19 = vector.load %arg8[%get3A_17, %get3A_18] : memref<1x12xf32, #tpu.memory_space<vmem>>, vector<1x12xf32>
    %add3A_20 = vector.broadcast %get3A_19 : vector<1x12xf32> to vector<2000x12xf32>
    %add3A_21 = arith.addf %add3A, %add3A_20 : vector<2000x12xf32>
    %logistic3A = arith.negf %add3A_21 : vector<2000x12xf32>
    %logistic3A_22 = math.exp %logistic3A : vector<2000x12xf32>
    %logistic3A_23 = arith.constant 1.000000e+00 : f32
    %logistic3A_24 = vector.broadcast %logistic3A_23 : f32 to vector<2000x12xf32>
    %logistic3A_25 = arith.addf %logistic3A_24, %logistic3A_22 : vector<2000x12xf32>
    %logistic3A_26 = arith.divf %logistic3A_24, %logistic3A_25 : vector<2000x12xf32>
    %get3A_27 = arith.constant 0 : index
    %get3A_28 = arith.constant 0 : index
    %get3A_29 = vector.load %arg6[%get3A_27, %get3A_28] : memref<24x12xf32, #tpu.memory_space<vmem>>, vector<24x12xf32>
    %dot_general3A_30 = arith.constant dense<0.000000e+00> : vector<2000x12xf32>
    %dot_general3A_31 = tpu.matmul %get3A_1, %get3A_29, %dot_general3A_30 {dimension_numbers = #tpu.dot_dimension_numbers<[1], [0], [0], [1], [0, 0, 1, 1], [], []>, transpose_lhs_hint = false} : vector<2000x24xf32>, vector<24x12xf32>, vector<2000x12xf32> -> vector<2000x12xf32>
    %get3A_32 = arith.constant 0 : index
    %get3A_33 = arith.constant 0 : index
    %get3A_34 = vector.load %arg7[%get3A_32, %get3A_33] : memref<24x12xf32, #tpu.memory_space<vmem>>, vector<24x12xf32>
    %dot_general3A_35 = arith.constant dense<0.000000e+00> : vector<2000x12xf32>
    %dot_general3A_36 = tpu.matmul %select_n3A, %get3A_34, %dot_general3A_35 {dimension_numbers = #tpu.dot_dimension_numbers<[1], [0], [0], [1], [0, 0, 1, 1], [], []>, transpose_lhs_hint = false} : vector<2000x24xf32>, vector<24x12xf32>, vector<2000x12xf32> -> vector<2000x12xf32>
    %add3A_37 = arith.addf %dot_general3A_31, %dot_general3A_36 : vector<2000x12xf32>
    %get3A_38 = arith.constant 0 : index
    %get3A_39 = arith.constant 0 : index
    %get3A_40 = vector.load %arg9[%get3A_38, %get3A_39] : memref<1x12xf32, #tpu.memory_space<vmem>>, vector<1x12xf32>
    %add3A_41 = vector.broadcast %get3A_40 : vector<1x12xf32> to vector<2000x12xf32>
    %add3A_42 = arith.addf %add3A_37, %add3A_41 : vector<2000x12xf32>
    %tanh3A = math.tanh %add3A_42 : vector<2000x12xf32>
    %sub3A = arith.constant 1.000000e+00 : f32
    %sub3A_43 = vector.broadcast %sub3A : f32 to vector<2000x12xf32>
    %sub3A_44 = arith.subf %sub3A_43, %logistic3A_26 : vector<2000x12xf32>
    %mul3A = arith.mulf %sub3A_44, %tanh3A : vector<2000x12xf32>
    %max3A = arith.constant 0.000000e+00 : f32
    %max3A_45 = vector.broadcast %max3A : f32 to vector<2000x12xf32>
    %max3A_46 = arith.maximumf %mul3A, %max3A_45 : vector<2000x12xf32>
    %get3A_47 = arith.constant 0 : index
    %get3A_48 = arith.constant 0 : index
    %get3A_49 = vector.load %arg10[%get3A_47, %get3A_48] : memref<12x12xf32, #tpu.memory_space<vmem>>, vector<12x12xf32>
    %dot_general3A_50 = arith.constant dense<0.000000e+00> : vector<2000x12xf32>
    %dot_general3A_51 = tpu.matmul %max3A_46, %get3A_49, %dot_general3A_50 {dimension_numbers = #tpu.dot_dimension_numbers<[1], [0], [0], [1], [0, 0, 1, 1], [], []>, transpose_lhs_hint = false} : vector<2000x12xf32>, vector<12x12xf32>, vector<2000x12xf32> -> vector<2000x12xf32>
    %get3A_52 = arith.constant 0 : index
    %get3A_53 = arith.constant 0 : index
    %get3A_54 = vector.load %arg11[%get3A_52, %get3A_53] : memref<1x12xf32, #tpu.memory_space<vmem>>, vector<1x12xf32>
    %add3A_55 = vector.broadcast %get3A_54 : vector<1x12xf32> to vector<2000x12xf32>
    %add3A_56 = arith.addf %dot_general3A_51, %add3A_55 : vector<2000x12xf32>
    %max3A_57 = arith.constant 0.000000e+00 : f32
    %max3A_58 = vector.broadcast %max3A_57 : f32 to vector<2000x12xf32>
    %max3A_59 = arith.maximumf %add3A_56, %max3A_58 : vector<2000x12xf32>
    %get3A_60 = arith.constant 0 : index
    %get3A_61 = arith.constant 0 : index
    %get3A_62 = vector.load %arg12[%get3A_60, %get3A_61] : memref<12x12xf32, #tpu.memory_space<vmem>>, vector<12x12xf32>
    %dot_general3A_63 = arith.constant dense<0.000000e+00> : vector<2000x12xf32>
    %dot_general3A_64 = tpu.matmul %max3A_59, %get3A_62, %dot_general3A_63 {dimension_numbers = #tpu.dot_dimension_numbers<[1], [0], [0], [1], [0, 0, 1, 1], [], []>, transpose_lhs_hint = false} : vector<2000x12xf32>, vector<12x12xf32>, vector<2000x12xf32> -> vector<2000x12xf32>
    %get3A_65 = arith.constant 0 : index
    %get3A_66 = arith.constant 0 : index
    %get3A_67 = vector.load %arg13[%get3A_65, %get3A_66] : memref<1x12xf32, #tpu.memory_space<vmem>>, vector<1x12xf32>
    %add3A_68 = vector.broadcast %get3A_67 : vector<1x12xf32> to vector<2000x12xf32>
    %add3A_69 = arith.addf %dot_general3A_64, %add3A_68 : vector<2000x12xf32>
    %logistic3A_70 = arith.negf %add3A_69 : vector<2000x12xf32>
    %logistic3A_71 = math.exp %logistic3A_70 : vector<2000x12xf32>
    %logistic3A_72 = arith.constant 1.000000e+00 : f32
    %logistic3A_73 = vector.broadcast %logistic3A_72 : f32 to vector<2000x12xf32>
    %logistic3A_74 = arith.addf %logistic3A_73, %logistic3A_71 : vector<2000x12xf32>
    %logistic3A_75 = arith.divf %logistic3A_73, %logistic3A_74 : vector<2000x12xf32>
    %swap3A = arith.constant 0 : index
    %swap3A_76 = arith.constant 0 : index
    %swap3A_77 = vector.load %arg14[%swap3A, %swap3A_76] : memref<2000x12xf32, #tpu.memory_space<vmem>>, vector<2000x12xf32>
    tpu.vector_store %arg14[%swap3A, %swap3A_76], %logistic3A_75 {strides = array<i32>} : memref<2000x12xf32, #tpu.memory_space<vmem>>, vector<2000x12xf32>,
    return
  }
  func.func @transform_0(%arg0: i32, %arg1: i32) -> (i32, i32) {
    %mul3A = arith.constant 5 : i32
    %mul3A_0 = arith.muli %arg0, %mul3A : i32
    %add3A = arith.addi %mul3A_0, %arg1 : i32
    %c0_i32 = arith.constant 0 : i32
    %c0_i32_1 = arith.constant 0 : i32
    return %add3A, %c0_i32 : i32, i32
  }
  func.func @transform_1(%arg0: i32, %arg1: i32) -> (i32, i32) {
    %div3A = arith.constant 2 : i32
    %div3A_0 = arith.divsi %arg0, %div3A : i32
    %mul3A = arith.constant 5 : i32
    %mul3A_1 = arith.muli %div3A_0, %mul3A : i32
    %add3A = arith.addi %mul3A_1, %arg1 : i32
    %c0_i32 = arith.constant 0 : i32
    %c0_i32_2 = arith.constant 0 : i32
    return %add3A, %c0_i32 : i32, i32
  }
  func.func @transform_2(%arg0: i32, %arg1: i32) -> (i32, i32) {
    %c0_i32 = arith.constant 0 : i32
    %c0_i32_0 = arith.constant 0 : i32
    %c0_i32_1 = arith.constant 0 : i32
    return %c0_i32, %c0_i32_0 : i32, i32
  }
  func.func @transform_3(%arg0: i32, %arg1: i32) -> (i32, i32) {
    %c0_i32 = arith.constant 0 : i32
    %c0_i32_0 = arith.constant 0 : i32
    %c0_i32_1 = arith.constant 0 : i32
    return %c0_i32, %c0_i32_0 : i32, i32
  }
  func.func @transform_4(%arg0: i32, %arg1: i32) -> (i32, i32) {
    %c0_i32 = arith.constant 0 : i32
    %c0_i32_0 = arith.constant 0 : i32
    %c0_i32_1 = arith.constant 0 : i32
    return %c0_i32, %c0_i32_0 : i32, i32
  }
  func.func @transform_5(%arg0: i32, %arg1: i32) -> (i32, i32) {
    %c0_i32 = arith.constant 0 : i32
    %c0_i32_0 = arith.constant 0 : i32
    %c0_i32_1 = arith.constant 0 : i32
    return %c0_i32, %c0_i32_0 : i32, i32
  }
  func.func @transform_6(%arg0: i32, %arg1: i32) -> (i32, i32) {
    %c0_i32 = arith.constant 0 : i32
    %c0_i32_0 = arith.constant 0 : i32
    %c0_i32_1 = arith.constant 0 : i32
    return %c0_i32, %c0_i32_0 : i32, i32
  }
  func.func @transform_7(%arg0: i32, %arg1: i32) -> (i32, i32) {
    %c0_i32 = arith.constant 0 : i32
    %c0_i32_0 = arith.constant 0 : i32
    %c0_i32_1 = arith.constant 0 : i32
    return %c0_i32, %c0_i32_0 : i32, i32
  }
  func.func @transform_8(%arg0: i32, %arg1: i32) -> (i32, i32) {
    %c0_i32 = arith.constant 0 : i32
    %c0_i32_0 = arith.constant 0 : i32
    %c0_i32_1 = arith.constant 0 : i32
    return %c0_i32, %c0_i32_0 : i32, i32
  }
  func.func @transform_9(%arg0: i32, %arg1: i32) -> (i32, i32) {
    %c0_i32 = arith.constant 0 : i32
    %c0_i32_0 = arith.constant 0 : i32
    %c0_i32_1 = arith.constant 0 : i32
    return %c0_i32, %c0_i32_0 : i32, i32
  }
  func.func @transform_10(%arg0: i32, %arg1: i32) -> (i32, i32) {
    %c0_i32 = arith.constant 0 : i32
    %c0_i32_0 = arith.constant 0 : i32
    %c0_i32_1 = arith.constant 0 : i32
    return %c0_i32, %c0_i32_0 : i32, i32
  }
  func.func @transform_11(%arg0: i32, %arg1: i32) -> (i32, i32) {
    %c0_i32 = arith.constant 0 : i32
    %c0_i32_0 = arith.constant 0 : i32
    %c0_i32_1 = arith.constant 0 : i32
    return %c0_i32, %c0_i32_0 : i32, i32
  }
  func.func @transform_12(%arg0: i32, %arg1: i32) -> (i32, i32) {
    %mul3A = arith.constant 5 : i32
    %mul3A_0 = arith.muli %arg0, %mul3A : i32
    %add3A = arith.addi %mul3A_0, %arg1 : i32
    %c0_i32 = arith.constant 0 : i32
    %c0_i32_1 = arith.constant 0 : i32
    return %add3A, %c0_i32 : i32, i32
  }
}

</mosaic_0001>

<sc_bundles>
// kernel: kernel.4.cloned.1.call-start
scs
__scs_entry_jumppad:
0x0: {  	(pc) =	sbr.rel $0x88, $3  }
0x1: {  	(tag) =	ssettag $0x0;
	lr =	simm.s32 $0x1  }
0x2: {  	[smem:$0x3F95] =	sst lr;
	_ =	strace $0xD0000000  }
0x3: {  	_ = 	snop  }
0x4: {  	_ = 	snop  }
0x5: {  	_ = 	snop  }
0x6: {  	_ = 	snop  }
0x7: {  	_ = 	snop  }
__scs_overlays_trampoline_lowered:
0x8: {  	[smem:$0x3FA4] =	sst s0  }
0x9: {  	[smem:$0x3FA5] =	sst s1  }
0xa: {  	[smem:$0x3FA6] =	sst s2  }
0xb: {  	[smem:$0x3FA7] =	sst s3  }
0xc: {  	[smem:$0x3FA8] =	sst s4  }
0xd: {  	[smem:$0x3FA9] =	sst s5  }
0xe: {  	[smem:$0x3FAA] =	sst s6  }
0xf: {  	[smem:$0x3FAB] =	sst s7  }
0x10: {  	[smem:$0x3FAC] =	sst s8  }
0x11: {  	[smem:$0x3FAD] =	sst s9;
	s0 =	simm.s32 @!p0 $0x0  }
0x12: {  	s1 =	sld [smem:$0x3F93];
	s0 =	simm.s32 @p0 $0x1  }
0x13: {  	[smem:$0x3FAE] =	sst s0;
	s0 =	simm.s32 @!p1 $0x0  }
0x14: {  	s2 =	sld [smem:$0x3F92];
	s0 =	simm.s32 @p1 $0x1  }
0x15: {  	[smem:$0x3FAF] =	sst s0;
	s0 =	simm.s32 @!p2 $0x0  }
0x16: {  	s3 =	sld [smem:$0x3FDB];
	s0 =	simm.s32 @p2 $0x1  }
0x17: {  	s4 =	simm.s32 $0x1BF5;
	[smem:$0x3FB1] =	sst s0  }
0x18: {  	s0 =	sld [smem:$0x3F94];
	_ =	swait.ge [sflag:s4], $0x0  }
0x19: {  	s7 =	sld [smem:$0x3F95]  }
0x1a: {  	s8 =	sadd.s32 $0xFFFFE003, lr  }
0x1b: {  	s9 =	sadd.s32 $0xFFFFFEF7, lr;
	s5 =	simm.s32 $0xFFFFFFFF;
	p2 =	slt.u32 s8, $0xFFFFF086  }
0x1c: {  	p1 =	slt.u32 s9, $0xF7A;
	s5 =	simm.s32 @!p2 $0x0  }
0x1d: {  	s5 =	simm.s32 @p1 $0x1;
	p0 =	seq.s32 s7, s2  }
0x1e: {  	s7 =	smul.u32 @!p0 $0xF7A, s2;
	p2 =	seq.s32 @!p0 s5, $0x0  }
0x1f: {  	s9 =	smul.u32 $0xF7A, s1;
	s8 =	simm.s32 @!p0 $0x1BF5;
	p2 =	por !p2, p0  }
0x20: {  	[sflag:s8] =	ssyncset.s32 @!p0 $0xFFFFF086;
	s6 =	sadd.s32 @!p0 s3, s7;
	s7 =	simm.s32 @!p0 $0x108  }
0x21: {  	s3 =	sadd.s32 s3, s9;
	s6 =	sadd.s32 @!p0 $0x88, s6;
	s7 =	simm.s32 @p2 $0x1082  }
0x22: {  	[simem:s7], [sflag:s8] =	dma.local @!p0 [hbm:s6], $0xF7A  }
0x23: {  	s9 =	sor.u32 $0xD0000000, s2;
	s6 =	simm.s32 $0x108;
	_ =	swait.ge @!p0 [sflag:s8], $0x0  }
0x24: {  	s3 =	sadd.s32 $0x88, s3;
	s6 =	simm.s32 @!p1 $0x1082;
	[sflag:s4] =	ssyncset.s32 $0xFFFFF086  }
0x25: {  	[simem:s6], [sflag:s4] =	dma.local [hbm:s3], $0xF7A  }
0x26: {  	[smem:$0x3F95] =	sst s1;
	(tag) =	ssettag s2;
	_ =	strace s9  }
0x27: {  	s1 =	sld [smem:$0x3FA5]  }
0x28: {  	s2 =	sld [smem:$0x3FA6]  }
0x29: {  	s4 =	sld [smem:$0x3FA8]  }
0x2a: {  	p0 =	seq.s32 s5, $0x0;
	s5 =	sld [smem:$0x3FA9]  }
0x2b: {  	s6 =	sld [smem:$0x3FAA]  }
0x2c: {  	s7 =	sld [smem:$0x3FAB]  }
0x2d: {  	s3 =	simm.s32 $0x108;
	s8 =	sld [smem:$0x3FAC]  }
0x2e: {  	s3 =	simm.s32 @!p0 $0x1082;
	s9 =	sld [smem:$0x3FAD]  }
0x2f: {  	lr =	sadd.s32 s0, s3;
	s0 =	sld [smem:$0x3FA4]  }
0x30: {  	s3 =	sld [smem:$0x3FA7]  }
0x31: {  	[smem:$0x3FB0] =	sst s10  }
0x32: {  	s10 =	sld [smem:$0x3FAE];
	_ =	sdelay $0x3  }
0x33: {  	p0 =	seq.s32 s10, $0x1;
	s10 =	sld [smem:$0x3FB0];
	_ =	sdelay $0x3  }
0x34: {  	[smem:$0x3FB0] =	sst s10  }
0x35: {  	s10 =	sld [smem:$0x3FAF];
	_ =	sdelay $0x3  }
0x36: {  	p1 =	seq.s32 s10, $0x1;
	s10 =	sld [smem:$0x3FB0];
	_ =	sdelay $0x3  }
0x37: {  	[smem:$0x3FB0] =	sst s10  }
0x38: {  	s10 =	sld [smem:$0x3FB1]  }
0x39: {  	_ = 	snop;
	(pc) =	sbr.ind lr, $3  }
0x3a: {  	_ = 	snop  }
0x3b: {  	_ = 	snop  }
0x3c: {  	p2 =	seq.s32 s10, $0x1;
	s10 =	sld [smem:$0x3FB0]  }
0x3d: {  	_ =	shalt  }
0x3e: {  	_ =	shalt  }
0x3f: {  	_ =	shalt  }
0x40: {  	_ =	shalt  }
0x41: {  	_ =	shalt  }
0x42: {  	_ =	shalt  }
0x43: {  	_ =	shalt  }
0x44: {  	_ =	shalt  }
0x45: {  	_ =	shalt  }
0x46: {  	_ =	shalt  }
0x47: {  	_ =	shalt  }
0x48: {  	_ =	shalt  }
0x49: {  	_ =	shalt  }
0x4a: {  	_ =	shalt  }
0x4b: {  	_ =	shalt  }
0x4c: {  	_ =	shalt  }
0x4d: {  	_ =	shalt  }
0x4e: {  	_ =	shalt  }
0x4f: {  	_ =	shalt  }
0x50: {  	_ =	shalt  }
0x51: {  	_ =	shalt  }
0x52: {  	_ =	shalt  }
0x53: {  	_ =	shalt  }
0x54: {  	_ =	shalt  }
0x55: {  	_ =	shalt  }
0x56: {  	_ =	shalt  }
0x57: {  	_ =	shalt  }
0x58: {  	_ =	shalt  }
0x59: {  	_ =	shalt  }
0x5a: {  	_ =	shalt  }
0x5b: {  	_ =	shalt  }
0x5c: {  	_ =	shalt  }
0x5d: {  	_ =	shalt  }
0x5e: {  	_ =	shalt  }
0x5f: {  	_ =	shalt  }
0x60: {  	_ =	shalt  }
0x61: {  	_ =	shalt  }
0x62: {  	_ =	shalt  }
0x63: {  	_ =	shalt  }
0x64: {  	_ =	shalt  }
0x65: {  	_ =	shalt  }
0x66: {  	_ =	shalt  }
0x67: {  	_ =	shalt  }
0x68: {  	_ =	shalt  }
0x69: {  	_ =	shalt  }
0x6a: {  	_ =	shalt  }
0x6b: {  	_ =	shalt  }
0x6c: {  	_ =	shalt  }
0x6d: {  	_ =	shalt  }
0x6e: {  	_ =	shalt  }
0x6f: {  	_ =	shalt  }
0x70: {  	_ =	shalt  }
0x71: {  	_ =	shalt  }
0x72: {  	_ =	shalt  }
0x73: {  	_ =	shalt  }
0x74: {  	_ =	shalt  }
0x75: {  	_ =	shalt  }
0x76: {  	_ =	shalt  }
0x77: {  	_ =	shalt  }
0x78: {  	_ =	shalt  }
0x79: {  	_ =	shalt  }
0x7a: {  	_ =	shalt  }
0x7b: {  	_ =	shalt  }
0x7c: {  	_ =	shalt  }
0x7d: {  	_ =	shalt  }
0x7e: {  	_ =	shalt  }
0x7f: {  	_ =	shalt  }
0x80: {  	_ =	shalt  }
0x81: {  	_ =	shalt  }
0x82: {  	_ =	shalt  }
0x83: {  	_ =	shalt  }
0x84: {  	_ =	shalt  }
0x85: {  	_ =	shalt  }
0x86: {  	_ =	shalt  }
0x87: {  	_ =	shalt  }
.Lfunc_end0:
.L_simem_size_0:
called_computation_lowered:
.L_overlay_start_0:
0x88: {  	s2 =	sld [smem:$0x3FD9]  }
0x89: {  	s3 =	sld [smem:$0x3FFE];
	_ =	sdelay $0x1  }
0x8a: {  	s1 =	srdreg.scid  }
0x8b: {  	s0 =	sand.u32 $0x1, s1  }
0x8c: {  	s17 =	sshll.u32 s0, $0xA;
	s2 =	sadd.s32 s3, s2  }
0x8d: {  	s2 =	sadd.s32 s2, s17  }
0x8e: {  	[smem:$0x3FBC] =	sst s2  }
0x8f: {  	_ = 	snop  }
0x90: {  	s2 =	sld [smem:$0x3FD0];
	(tm) =	ssettm $0x1  }
0x91: {  	s18 =	sld [smem:$0x3FFB];
	_ =	sdelay $0x3  }
0x92: {  	_ =	strace s18  }
0x93: {  	s3 =	sld [smem:$0x3FFC];
	_ =	sdelay $0x3  }
0x94: {  	_ =	strace s3  }
0x95: {  	s3 =	sld [smem:$0x3FFD];
	_ =	sdelay $0x3  }
0x96: {  	_ =	strace s3  }
0x97: {  	_ =	strace $0x8FFFFFFF  }
0x98: {  	s19 =	sld [smem:$0x3FDB];
	_ =	sdelay $0x1  }
0x99: {  	s4 =	simm.s32 $_scs_section_size  }
0x9a: {  	s5 =	simm.s32 $_size__tile_overlayer_lowered;
	s6 =	simm.s32 $_tile_overlayer_lowered  }
0x9b: {  	s22 =	simm.s32 $0x1BFF;
	s21 =	sshll.u32 s6, $0x1;
	s3 =	sadd.s32 s4, s19  }
0x9c: {  	s7 =	simm.s32 $0x0;
	s20 =	sshll.u32 s5, $0x1;
	s5 =	sadd.s32 s21, s3  }
0x9d: {  	[timem:s7], [sflag:s22] =	dma.local [hbm:s5], s20  }
0x9e: {  	_ =	swait.ge [sflag:s22], s20  }
0x9f: {  	s4 =	ssub.s32 $0x0, s20;
	[sflag:s22] =	ssyncset.done $0x0  }
0xa0: {  	[sflag:s22] =	ssyncadd.s32 s4;
	_ =	sdelay $0x1  }
0xa1: {  	s23 =	simm.s32 $0x1B8B  }
0xa2: {  	_ =	swait.ge [sflag:s23], $0x1  }
0xa3: {  	[sflag:s23] =	ssyncset.done $0x0  }
0xa4: {  	s25 =	simm.s32 $0x1B8E;
	s24 =	sld [smem:$0x3FFE];
	[sflag:s23] =	ssyncadd.s32 $0xFFFFFFFF  }
0xa5: {  	s26 =	simm.s32 $execute0_lowered;
	[smem:$0x3FD2] =	sst s25  }
0xa6: {  	s5 =	sshll.u32 s26, $0x1;
	_ =	strace $0x80000046;
	[dreg:$0x1] =	wrdreg $0xFFFFFFFF  }
0xa7: {  	s28 =	simm.s32 $_size_execute0_lowered;
	s3 =	sadd.s32 s3, s5;
	[dreg:$0x0] =	wrdreg $0x0  }
0xa8: {  	s5 =	sshll.u32 s28, $0x1;
	[dreg:$0x2] =	wrdreg s3  }
0xa9: {  	[dreg:$0x3] =	wrdreg s5  }
0xaa: {  	[dreg:$0x4] =	wrdreg $0xC0  }
0xab: {  	_ =	task [dreg:s7], $0x5FFFF  }
0xac: {  	[dreg:$0x1] =	wrdreg $0xFFFFFFFF  }
0xad: {  	[dreg:$0x0] =	wrdreg $0x60  }
0xae: {  	[dreg:$0x2] =	wrdreg s24  }
0xaf: {  	[dreg:$0x3] =	wrdreg s2  }
0xb0: {  	[dreg:$0x4] =	wrdreg $0xFD000  }
0xb1: {  	[dreg:$0x5] =	wrdreg $0x173800  }
0xb2: {  	[dreg:$0x6] =	wrdreg $0x9  }
0xb3: {  	_ =	task.clear_ibuf [dreg:s7], $0x7FFFF;
	_ =	strace $0x90000046  }
0xb4: {  	s29 =	simm.s32 $0x9;
	_ =	strace $0x80000048  }
0xb5: {  	_ =	swait.ge [sflag:s29], $0x1  }
0xb6: {  	[sflag:s29] =	ssyncadd.s32 $0xFFFFFFFF  }
0xb7: {  	_ =	strace $0x90000048  }
0xb8: {  	_ =	sfence  }
0xb9: {  	s30 =	sld [smem:$0x0];
	_ =	sdelay $0x2  }
0xba: {  	s31 =	sshll.u32 s1, $0xD;
	s1 =	sshrl.u32 s1, $0x2  }
0xbb: {  	s3 =	sand.u32 $0x4000, s31;
	s1 =	sadd.s32 s1, s30  }
0xbc: {  	s0 =	sor.u32 s3, s0;
	s1 =	sshll.u32 s1, $0x11  }
0xbd: {  	s0 =	sor.u32 s1, s0  }
0xbe: {  	s0 =	sadd.s32 $0x8F2B, s0  }
0xbf: {  	[sflag:s0] =	ssyncadd.remote.s32 $0x1  }
0xc0: {  	_ =	sfence.sel $0xFFFF  }
0xc1: {  	[dreg:$0x0] =	wrdreg $0xFFFFFFFF;
	(pc) =	sbr.abs _section_cstart, $3  }
0xc2: {  	[dreg:$0x1] =	wrdreg $0xFFFFFFFF  }
0xc3: {  	_ =	task.clear_ibuf [dreg:s7], $0x2FFFF;
	_ =	strace $0x9FFFFFFF  }
0xc4: {  	(tm) =	ssettm $0x7FFFFFFF  }
0xc5: {  	_ =	shalt  }
tec
execute0_lowered:
.L_overlay_start_1:
0x0: {  	(tag) =	ssettag $0x1  }
0x1: {  	s0 =	rddreg [dreg:$0x0]  }
0x2: {  	s1 =	rddreg [dreg:$0x1]  }
0x3: {  	s2 =	rddreg [dreg:$0x2]  }
0x4: {  	s11 =	stileid.u32;
	s3 =	rddreg [dreg:$0x3]  }
0x5: {  	s12 =	simm.s32 $0x0;
	s19 =	srdreg.scid;
	s18 =	simm.s32 $0xA  }
0x6: {  	s29 =	simm.s32 $0xCD00;
	s30 =	simm.s32 $0x2;
	s15 =	simm.s32 $0x3  }
0x7: {  	s28 =	simm.s32 $0x6;
	s4 =	smul.u32 $0x9C, s11;
	s5 =	smin.u32 s11, $0x4  }
0x8: {  	[smem:$0x7FF] =	sst s12;
	s6 =	sand.u32 $0x1, s19;
	s7 =	sadd.s32 $0x237A00, s0  }
0x9: {  	s21 =	smul.u32 $0x7680, s11;
	s25 =	sadd.s32 $0x6F180, s2;
	p0 =	sgt.u32 s11, $0x3  }
0xa: {  	s26 =	sshll.u32 s11, $0x6;
	p1 =	sne.s32 s11, $0xF;
	_ =	strace $0x80000047  }
0xb: {  	s9 =	ssub.s32 $0x2, s6;
	[dreg:$0x6] =	wrdreg s7;
	s7 =	smul.u32 $0x278, s11  }
0xc: {  	s22 =	smul.u32 $0x3, s6;
	[dreg:$0xe] =	wrdreg s26;
	s17 =	sor.u32 $0x1C0A, s26  }
0xd: {  	s31 =	sshrl.u32 s25, $0x3;
	s25 =	simm.s32 $0x4;
	s4 =	sadd.s32 s5, s4  }
0xe: {  	s5 =	sadd.s32 $0x1DFA00, s0;
	s10 =	sshrl.u32 s9, $0x1;
	s23 =	sadd.s32 s21, s2  }
0xf: {  	s13 =	sadd.s32 s21, s3;
	s21 =	simm.s32 $0x80;
	[dreg:$0x11] =	wrdreg s31  }
0x10: {  	s4 =	sshll.u32 s4, $0x4;
	s20 =	ssub.s32 s9, s10;
	[dreg:$0xa] =	wrdreg s22  }
0x11: {  	[dreg:$0xb] =	wrdreg s23;
	s24 =	sadd.s32 $0x2710, s7;
	s22 =	simm.s32 $0x9D00  }
0x12: {  	s23 =	simm.s32 $0xB500;
	s10 =	simm.s32 $0x5;
	s9 =	simm.s32 $0x8  }
0x13: {  	s8 =	sadd.s32 s4, s0;
	s0 =	sadd.s32 $0x238A00, s0;
	[dreg:$0xc] =	wrdreg s24  }
0x14: {  	s1 =	sadd.s32 s1, s4;
	s4 =	sadd.s32 $0x6F198, s3;
	[dreg:$0x7] =	wrdreg s0  }
.Ltmp0:
0x15: {  	s8 =	sadd.s32 $0x1000, s8;
	[dreg:$0x9] =	wrdreg s1;
	(pc) =	sbr.rel .LBB2_1-.Ltmp0, $4  }
0x16: {  	s1 =	sadd.s32 $0x18, s13;
	s0 =	smax.u32 s20, $0x1;
	[dreg:$0x8] =	wrdreg s8  }
0x17: {  	s24 =	simm.s32 $0x1;
	[dreg:$0xd] =	wrdreg s0;
	s0 =	sshrl.u32 @p1 s1, $0x3  }
0x18: {  	s1 =	simm.s32 $0x7;
	[dreg:$0xf] =	wrdreg s0;
	s0 =	sshrl.u32 @!p1 s4, $0x3  }
0x19: {  	s4 =	simm.s32 $0x9;
	[dreg:$0x10] =	wrdreg s0;
	s0 =	simm.s32 $0xE500  }
.LBB2_11:
0x1a: {  	s12 =	rddreg [dreg:$0x5]  }
0x1b: {  	s6 =	rddreg [dreg:$0xd];
	s12 =	sadd.s32 $0x1, s12  }
0x1c: {  	p2 =	sne.s32 s12, s6  }
.Ltmp1:
0x1d: {  	_ = 	snop;
	(pc) =	sbr.rel @!p2 .LBB2_12-.Ltmp1, $1  }
0x1e: {  	_ =	sdelay $0x3  }
.LBB2_1:
0x1f: {  	[dreg:$0x5] =	wrdreg s12  }
0x20: {  	s6 =	simm.s32 @p0 $0x0;
	s12 =	rddreg [dreg:$0x8];
	s8 =	simm.s32 @p0 $0x9  }
0x21: {  	[tilespmem:s6], [sflag:$0x9] =	stream.linear.gather @p0 [hbm4b:s12+s6], $0x4E00, $0x38;
	[tilespmem:$0x1E8B0] =	vst v63  }
0x22: {  	_ =	swait.ge @p0 [sflag:s8], $0x4E00  }
0x23: {  	[sflag:s8] =	ssyncset.done @p0 $0x0  }
0x24: {  	s11 =	simm.s32 @p0 $0x4E80;
	s14 =	rddreg [dreg:$0x9];
	[sflag:s8] =	ssyncadd.s32 @p0 $0xFFFFB200  }
0x25: {  	[tilespmem:s11], [sflag:$0x9] =	stream.linear.gather @p0 [hbm4b:s14+s6], $0x4E00, $0x38;
	[tilespmem:$0x1E8B0] =	vst v63  }
0x26: {  	_ =	swait.ge @p0 [sflag:s8], $0x4E00  }
0x27: {  	[sflag:s8] =	ssyncset.done @p0 $0x0  }
0x28: {  	s6 =	simm.s32 @!p0 $0x0;
	[sflag:s8] =	ssyncadd.s32 @p0 $0xFFFFB200;
	s8 =	simm.s32 @!p0 $0x9  }
0x29: {  	[tilespmem:s6], [sflag:$0x9] =	stream.linear.gather @!p0 [hbm4b:s12+s6], $0x4E80, $0x38;
	[tilespmem:$0x1E8B0] =	vst v63  }
0x2a: {  	_ =	swait.ge @!p0 [sflag:s8], $0x4E80  }
0x2b: {  	[sflag:s8] =	ssyncset.done @!p0 $0x0  }
.Ltmp2:
0x2c: {  	s11 =	simm.s32 @!p0 $0x4E80;
	[sflag:s8] =	ssyncadd.s32 @!p0 $0xFFFFB180;
	(pc) =	sbr.rel .LBB2_2-.Ltmp2, $4  }
0x2d: {  	[tilespmem:s11], [sflag:$0x9] =	stream.linear.gather @!p0 [hbm4b:s14+s6], $0x4E80, $0x38;
	[tilespmem:$0x1E8B0] =	vst v63  }
0x2e: {  	_ =	swait.ge @!p0 [sflag:s8], $0x4E80  }
0x2f: {  	[sflag:s8] =	ssyncset.done @!p0 $0x0  }
0x30: {  	s26 =	simm.s32 $0x0;
	[sflag:s8] =	ssyncadd.s32 @!p0 $0xFFFFB180  }
.LBB2_9:
0x31: {  	s6 =	smul.u32 $0x75300, s16;
	_ =	sdelay $0x1  }
0x32: {  	s8 =	rddreg [dreg:$0x7];
	s6 =	sshrl.u32 s6, $0x3  }
0x33: {  	s6 =	sadd.s32 s8, s6  }
0x34: {  	s31 =	rddreg [dreg:$0x11];
	s6 =	sadd.s32 $0xDE30, s6  }
0x35: {  	[hbm:s6], [sflag:s17] =	dma.local [spmem:s31], $0xC30  }
0x36: {  	_ =	swait.ge [sflag:s18], $0xC30  }
0x37: {  	[sflag:s18] =	ssyncset.done $0x0  }
0x38: {  	[sflag:s18] =	ssyncadd.s32 $0xFFFFF3D0  }
.LBB2_10:
0x39: {  	s26 =	sadd.s32 $0x1, s26  }
0x3a: {  	p2 =	sne.s32 s26, $0x3  }
.Ltmp3:
0x3b: {  	_ = 	snop;
	(pc) =	sbr.rel @!p2 .LBB2_11-.Ltmp3, $1  }
0x3c: {  	_ =	sdelay $0x3  }
.LBB2_2:
0x3d: {  	s6 =	rddreg [dreg:$0xa]  }
0x3e: {  	s12 =	rddreg [dreg:$0xb];
	s16 =	sadd.s32 s6, s26  }
0x3f: {  	s8 =	rddreg [dreg:$0x6];
	s31 =	sshrl.u32 s12, $0x3;
	s6 =	smul.u32 @p1 $0x4E20, s16  }
0x40: {  	[spmem:s31], [sflag:s17] =	dma.local [hbm:s8], $0xED0  }
0x41: {  	s8 =	sadd.s32 @p1 s7, s6  }
0x42: {  	s11 =	sshrl.u32 @p1 s13, $0x3;
	_ =	swait.ge [sflag:s18], $0xED0;
	s8 =	smul.u32 @p1 $0x3, s8  }
0x43: {  	s14 =	simm.s32 @p1 $0x6;
	s19 =	simm.s32 @p1 $0x3;
	[sflag:s18] =	ssyncset.done $0x0  }
0x44: {  	s12 =	simm.s32 @p1 $0x1;
	[sflag:s18] =	ssyncadd.s32 $0xFFFFF130;
	s8 =	sadd.s32 @p1 s5, s8  }
0x45: {  	[spmem:s11@s14], [sflag:s17] =	dma.strided @p1 [hbm:s8@s19], $0x768, s12, $0x3   }
0x46: {  	s11 =	rddreg [dreg:$0xc]  }
0x47: {  	s8 =	simm.s32 @p1 $0xA;
	s6 =	sadd.s32 @p1 s6, s11  }
0x48: {  	_ =	swait.ge @p1 [sflag:s8], $0x768;
	s6 =	smul.u32 @p1 $0x3, s6  }
0x49: {  	[sflag:s8] =	ssyncset.done @p1 $0x0;
	s11 =	smul.u32 @!p1 $0x75300, s16  }
0x4a: {  	s20 =	rddreg [dreg:$0xf];
	[sflag:s8] =	ssyncadd.s32 @p1 $0xFFFFF898;
	s6 =	sadd.s32 @p1 s5, s6  }
0x4b: {  	[spmem:s20@s14], [sflag:s17] =	dma.strided @p1 [hbm:s6@s19], $0x768, s12, $0x3   }
0x4c: {  	s6 =	sshrl.u32 @!p1 s11, $0x3  }
0x4d: {  	s11 =	sshrl.u32 @!p1 s13, $0x3;
	s12 =	simm.s32 @!p1 $0x1;
	_ =	swait.ge @p1 [sflag:s8], $0x768  }
0x4e: {  	s14 =	simm.s32 @!p1 $0x6;
	s6 =	sadd.s32 @!p1 s5, s6;
	[sflag:s8] =	ssyncset.done @p1 $0x0  }
0x4f: {  	s19 =	simm.s32 @!p1 $0x3;
	[sflag:s8] =	ssyncadd.s32 @p1 $0xFFFFF898;
	s8 =	sadd.s32 @!p1 $0x6F18, s6  }
0x50: {  	[spmem:s11@s14], [sflag:s17] =	dma.strided @!p1 [hbm:s8@s19], $0x618, s12, $0x3   }
0x51: {  	s8 =	simm.s32 @!p1 $0xA  }
0x52: {  	_ =	swait.ge @!p1 [sflag:s8], $0x618  }
0x53: {  	[sflag:s8] =	ssyncset.done @!p1 $0x0  }
0x54: {  	s6 =	sadd.s32 @!p1 $0xE448, s6;
	s11 =	rddreg [dreg:$0x10];
	[sflag:s8] =	ssyncadd.s32 @!p1 $0xFFFFF9E8  }
0x55: {  	[spmem:s11@s14], [sflag:s17] =	dma.strided @!p1 [hbm:s6@s19], $0x618, s12, $0x3   }
0x56: {  	_ =	swait.ge @!p1 [sflag:s8], $0x618  }
0x57: {  	[sflag:s8] =	ssyncset.done @!p1 $0x0  }
0x58: {  	[sflag:s8] =	ssyncadd.s32 @!p1 $0xFFFFF9E8  }
0x59: {  	s6 =	simm.s32 $0x0;
	[bflag:$0x0] =	sbarrier.arrive $0xFFFF  }
0x5a: {  	[tilespmem:s22], [sflag:$0x1] =	stream.indirect.gather [spmem:s3], $0x30, s6, s21, $0xb8;
	[tilespmem:$0x1E8B0] =	vst v63  }
0x5b: {  	_ = 	snop  }
0x5c: {  	[tilespmem:s23], [sflag:$0x2] =	stream.indirect.gather [spmem:s3], $0x30, s21, s21, $0xb8;
	[tilespmem:$0x1E8B0] =	vst v63  }
0x5d: {  	_ =	swait.ge [sflag:s24], $0x1800  }
0x5e: {  	[sflag:s24] =	ssyncset.done $0x0  }
0x5f: {  	s14 =	simm.s32 $0x4E80;
	[sflag:s24] =	ssyncadd.s32 $0xFFFFE800  }
0x60: {  	[spmem:s2] =	stream.indirect.scatter.add.f32 [tilespmem:s22], [sflag:$0x5], $0x30, s14, s21, $0xb8;
	[tilespmem:$0x1E8B0] =	vst v63  }
0x61: {  	s19 =	simm.s32 $0x100  }
0x62: {  	[tilespmem:s29], [sflag:$0x3] =	stream.indirect.gather [spmem:s3], $0x30, s19, s21, $0xb8;
	[tilespmem:$0x1E8B0] =	vst v63  }
0x63: {  	_ =	swait.ge [sflag:s30], $0x1800  }
0x64: {  	[sflag:s30] =	ssyncset.done $0x0  }
0x65: {  	s20 =	simm.s32 $0x4F00;
	[sflag:s30] =	ssyncadd.s32 $0xFFFFE800  }
0x66: {  	[spmem:s2] =	stream.indirect.scatter.add.f32 [tilespmem:s23], [sflag:$0x6], $0x30, s20, s21, $0xb8;
	[tilespmem:$0x1E8B0] =	vst v63  }
0x67: {  	s11 =	simm.s32 $0x180  }
0x68: {  	[tilespmem:s0], [sflag:$0x4] =	stream.indirect.gather [spmem:s3], $0x30, s11, s21, $0xb8;
	[tilespmem:$0x1E8B0] =	vst v63  }
0x69: {  	_ =	swait.ge [sflag:s15], $0x1800  }
0x6a: {  	[sflag:s15] =	ssyncset.done $0x0  }
0x6b: {  	s12 =	simm.s32 $0x4F80;
	[sflag:s15] =	ssyncadd.s32 $0xFFFFE800  }
0x6c: {  	[spmem:s2] =	stream.indirect.scatter.add.f32 [tilespmem:s29], [sflag:$0x7], $0x30, s12, s21, $0xb8;
	[tilespmem:$0x1E8B0] =	vst v63  }
0x6d: {  	_ =	swait.ge [sflag:s10], $0x1800  }
0x6e: {  	[sflag:s10] =	ssyncset.done $0x0  }
0x6f: {  	s14 =	simm.s32 $0x200;
	[sflag:s10] =	ssyncadd.s32 $0xFFFFE800  }
0x70: {  	[tilespmem:s22], [sflag:$0x1] =	stream.indirect.gather [spmem:s3], $0x30, s14, s21, $0xb8;
	[tilespmem:$0x1E8B0] =	vst v63  }
0x71: {  	_ =	swait.ge [sflag:s25], $0x1800  }
0x72: {  	[sflag:s25] =	ssyncset.done $0x0  }
0x73: {  	s19 =	simm.s32 $0x5000;
	[sflag:s25] =	ssyncadd.s32 $0xFFFFE800  }
0x74: {  	[spmem:s2] =	stream.indirect.scatter.add.f32 [tilespmem:s0], [sflag:$0x8], $0x30, s19, s21, $0xb8;
	[tilespmem:$0x1E8B0] =	vst v63  }
0x75: {  	_ =	swait.ge [sflag:s28], $0x1800  }
0x76: {  	[sflag:s28] =	ssyncset.done $0x0  }
0x77: {  	s20 =	simm.s32 $0x280;
	[sflag:s28] =	ssyncadd.s32 $0xFFFFE800  }
0x78: {  	[tilespmem:s23], [sflag:$0x2] =	stream.indirect.gather [spmem:s3], $0x30, s20, s21, $0xb8;
	[tilespmem:$0x1E8B0] =	vst v63  }
.LBB2_3:
0x79: {  	_ =	swait.ge [sflag:s24], $0x1800  }
0x7a: {  	s8 =	sshra.s32 s6, $0x2;
	[sflag:s24] =	ssyncset.done $0x0  }
0x7b: {  	s11 =	sadd.s32 $0x5080, s8;
	[sflag:s24] =	ssyncadd.s32 $0xFFFFE800  }
0x7c: {  	[spmem:s2] =	stream.indirect.scatter.add.f32 [tilespmem:s22], [sflag:$0x5], $0x30, s11, s21, $0xb8;
	[tilespmem:$0x1E8B0] =	vst v63  }
0x7d: {  	_ =	swait.ge [sflag:s1], $0x1800  }
0x7e: {  	[sflag:s1] =	ssyncset.done $0x0  }
0x7f: {  	s12 =	sadd.s32 $0x300, s8;
	[sflag:s1] =	ssyncadd.s32 $0xFFFFE800  }
0x80: {  	[tilespmem:s29], [sflag:$0x3] =	stream.indirect.gather [spmem:s3], $0x30, s12, s21, $0xb8;
	[tilespmem:$0x1E8B0] =	vst v63  }
0x81: {  	_ =	swait.ge [sflag:s30], $0x1800  }
0x82: {  	[sflag:s30] =	ssyncset.done $0x0  }
0x83: {  	s14 =	sadd.s32 $0x5100, s8;
	[sflag:s30] =	ssyncadd.s32 $0xFFFFE800  }
0x84: {  	[spmem:s2] =	stream.indirect.scatter.add.f32 [tilespmem:s23], [sflag:$0x6], $0x30, s14, s21, $0xb8;
	[tilespmem:$0x1E8B0] =	vst v63  }
0x85: {  	_ =	swait.ge [sflag:s9], $0x1800  }
0x86: {  	[sflag:s9] =	ssyncset.done $0x0  }
0x87: {  	s19 =	sadd.s32 $0x380, s8;
	[sflag:s9] =	ssyncadd.s32 $0xFFFFE800  }
0x88: {  	[tilespmem:s0], [sflag:$0x4] =	stream.indirect.gather [spmem:s3], $0x30, s19, s21, $0xb8;
	[tilespmem:$0x1E8B0] =	vst v63  }
0x89: {  	_ =	swait.ge [sflag:s15], $0x1800  }
0x8a: {  	p2 =	seq.s32 s6, $0x12800;
	[sflag:s15] =	ssyncset.done $0x0  }
.Ltmp4:
0x8b: {  	s20 =	sadd.s32 $0x5180, s8;
	[sflag:s15] =	ssyncadd.s32 $0xFFFFE800;
	(pc) =	sbr.rel @p2 .LBB2_5-.Ltmp4, $4  }
0x8c: {  	[spmem:s2] =	stream.indirect.scatter.add.f32 [tilespmem:s29], [sflag:$0x7], $0x30, s20, s21, $0xb8;
	[tilespmem:$0x1E8B0] =	vst v63  }
0x8d: {  	_ =	swait.ge [sflag:s10], $0x1800  }
0x8e: {  	[sflag:s10] =	ssyncset.done $0x0  }
0x8f: {  	s11 =	sadd.s32 $0x5200, s8;
	[sflag:s10] =	ssyncadd.s32 $0xFFFFE800  }
0x90: {  	s12 =	sadd.s32 $0x400, s8  }
0x91: {  	[tilespmem:s22], [sflag:$0x1] =	stream.indirect.gather [spmem:s3], $0x30, s12, s21, $0xb8;
	[tilespmem:$0x1E8B0] =	vst v63  }
0x92: {  	_ =	swait.ge [sflag:s25], $0x1800  }
0x93: {  	[sflag:s25] =	ssyncset.done $0x0  }
0x94: {  	[sflag:s25] =	ssyncadd.s32 $0xFFFFE800  }
0x95: {  	[spmem:s2] =	stream.indirect.scatter.add.f32 [tilespmem:s0], [sflag:$0x8], $0x30, s11, s21, $0xb8;
	[tilespmem:$0x1E8B0] =	vst v63  }
.Ltmp5:
0x96: {  	_ = 	snop;
	(pc) =	sbr.rel .LBB2_3-.Ltmp5, $4  }
0x97: {  	_ =	swait.ge [sflag:s28], $0x1800  }
0x98: {  	[sflag:s28] =	ssyncset.done $0x0  }
0x99: {  	s20 =	sadd.s32 $0x480, s8;
	s6 =	sadd.s32 $0x800, s6;
	[sflag:s28] =	ssyncadd.s32 $0xFFFFE800  }
0x9a: {  	[tilespmem:s23], [sflag:$0x2] =	stream.indirect.gather [spmem:s3], $0x30, s20, s21, $0xb8;
	[tilespmem:$0x1E8B0] =	vst v63  }
.LBB2_5:
0x9b: {  	_ =	swait.ge [sflag:s25], $0x1800  }
0x9c: {  	[sflag:s25] =	ssyncset.done $0x0  }
0x9d: {  	[sflag:s25] =	ssyncadd.s32 $0xFFFFE800  }
0x9e: {  	[spmem:s2] =	stream.indirect.scatter.add.f32 [tilespmem:s0], [sflag:$0x8], $0x30, s11, s21, $0xb8;
	[tilespmem:$0x1E8B0] =	vst v63  }
0x9f: {  	_ =	swait.ge [sflag:s28], $0x1800  }
0xa0: {  	[sflag:s28] =	ssyncset.done $0x0  }
0xa1: {  	[sflag:s28] =	ssyncadd.s32 $0xFFFFE800  }
0xa2: {  	_ =	swait.ge [sflag:s1], $0x1800  }
.Ltmp6:
0xa3: {  	[sflag:s1] =	ssyncset.done $0x0;
	(pc) =	sbr.rel @p0 .LBB2_8-.Ltmp6, $4  }
0xa4: {  	[sflag:s1] =	ssyncadd.s32 $0xFFFFE800  }
0xa5: {  	_ =	swait.ge [sflag:s9], $0x1800  }
0xa6: {  	[sflag:s9] =	ssyncset.done $0x0  }
0xa7: {  	[sflag:s9] =	ssyncadd.s32 $0xFFFFE800  }
0xa8: {  	s6 =	simm.s32 $0x4E00  }
0xa9: {  	[tilespmem:s22], [sflag:$0x1] =	stream.indirect.gather [spmem:s3], $0x30, s6, s21, $0xb8;
	[tilespmem:$0x1E8B0] =	vst v63  }
0xaa: {  	_ =	swait.ge [sflag:s24], $0x1800  }
0xab: {  	[sflag:s24] =	ssyncset.done $0x0  }
0xac: {  	s20 =	simm.s32 $0x9C80;
	[sflag:s24] =	ssyncadd.s32 $0xFFFFE800  }
0xad: {  	[spmem:s2] =	stream.indirect.scatter.add.f32 [tilespmem:s22], [sflag:$0x5], $0x30, s20, s21, $0xb8;
	[tilespmem:$0x1E8B0] =	vst v63  }
.Ltmp7:
0xae: {  	_ =	swait.ge [sflag:s10], $0x1800;
	(pc) =	sbr.rel .LBB2_7-.Ltmp7, $3  }
0xaf: {  	[sflag:s10] =	ssyncset.done $0x0  }
0xb0: {  	[sflag:s10] =	ssyncadd.s32 $0xFFFFE800  }
0xb1: {  	[bflag:$0x0] =	sbarrier.arrive $0xFFFF;
	_ =	sdelay $0x1  }
.LBB2_8:
.Ltmp8:
0xb2: {  	(pc) =	sbr.rel @!p1 .LBB2_9-.Ltmp8, $2  }
0xb3: {  	_ =	sdelay $0x1  }
0xb4: {  	[bflag:$0x0] =	sbarrier.arrive $0xFFFF;
	_ =	sdelay $0x1  }
.LBB2_7:
0xb5: {  	s6 =	smul.u32 $0x2710, s16;
	_ =	sdelay $0x1  }
0xb6: {  	s6 =	sadd.s32 s7, s6  }
0xb7: {  	s8 =	rddreg [dreg:$0x7];
	s6 =	smul.u32 $0x6, s6  }
0xb8: {  	s20 =	rddreg [dreg:$0xe]  }
.Ltmp9:
0xb9: {  	s6 =	sadd.s32 s8, s6;
	s8 =	sor.u32 $0x1C09, s20;
	(pc) =	sbr.rel .LBB2_10-.Ltmp9, $4  }
0xba: {  	[hbm:s6], [sflag:s8] =	dma.local [spmem:s31], $0xED0  }
0xbb: {  	_ =	swait.ge [sflag:s4], $0xED0  }
0xbc: {  	[sflag:s4] =	ssyncset.done $0x0  }
0xbd: {  	[sflag:s4] =	ssyncadd.s32 $0xFFFFF130  }
.LBB2_12:
0xbe: {  	_ =	sfence.sel $0x180000  }
0xbf: {  	[bflag:$0x0] =	sbarrier.arrive $0xFFFF  }
0xc0: {  	_ =	strace $0x90000047  }
0xc1: {  	s0 =	stileid.u32;
	[bflag:$0x2] =	sbarrier.arrive $0xFFFF  }
0xc2: {  	p0 =	sne.s32 s0, $0x0;
	s0 =	rddreg [dreg:$0x4]  }
0xc3: {  	s0 =	sadd.s32 @!p0 $0x100000, s0  }
0xc4: {  	[sflag:s0] =	ssyncadd.tile.s32 @!p0 $0x1;
	_ =	shalt  }
.Lfunc_end2:
_tile_overlayer_lowered:
.L_overlay_start_2:
0xc5: {  	(tag) =	ssettag $0x2  }
0xc6: {  	s0 =	rddreg [dreg:$0x0];
	s2 =	stileid.u32  }
0xc7: {  	s1 =	rddreg [dreg:$0x1];
	p0 =	sne.s32 s2, $0x0  }
0xc8: {  	s3 =	rddreg [dreg:$0x2];
	[bflag:$0x3] =	sbarrier.arrive $0xFFFF;
	s2 =	simm.s32 @!p0 $0x1C09  }
0xc9: {  	[timem:s3], [sflag:s2] =	dma.local @!p0 [hbm:s0], s1  }
0xca: {  	s0 =	simm.s32 @!p0 $0x9  }
0xcb: {  	_ =	swait.ge @!p0 [sflag:s0], s1  }
0xcc: {  	s1 =	ssub.s32 @!p0 $0x0, s1;
	[sflag:s0] =	ssyncset.done @!p0 $0x0  }
0xcd: {  	[sflag:s0] =	ssyncadd.s32 @!p0 s1  }
0xce: {  	[bflag:$0x3] =	sbarrier.arrive $0xFFFF  }
0xcf: {  	_ =	shalt  }

</sc_bundles>
